<compile_context>
chip_gen: v7x
topology: tpu7x:2x2x1
jax: 0.10.2.dev20260603
libtpu: 0.0.44.dev20260713+nightly
codegen_flags: <defaults>
</compile_context>

<pallas_src>
import functools

import jax
import jax.numpy as jnp
from jax import lax
from jax.experimental import pallas as pl
from jax.experimental.pallas import tpu as pltpu
from jax.experimental.pallas import tpu_sc as plsc

_T = 10
_N = 10000
_E = 320000
_LEN_P1 = 5
_INNER = _T * (_T - 1)
_CROSS = _T * _N
_EDGES = _INNER + _E + 2 * _CROSS

_S1 = _INNER
_S2 = _S1 + _E
_S3 = _S2 + _CROSS

_NWORKERS = 32
_WV_PAD = 10016
_PIECE = 640
_W_PER_W = 312
_REP_PER_W = 3136

_ANY = pl.ANY


def _tc_body(tok_ref, gx_ref, tpe_ref, gpe_ref, gei_ref, x_ref, pe_ref,
             ei_ref):
    x_ref[0:_T, :] = tok_ref[...]
    x_ref[_T:, :] = gx_ref[...]
    pe_ref[0:_T, :] = tpe_ref[...]
    pe_ref[_T:, :] = gpe_ref[...]
    k = lax.broadcasted_iota(jnp.int32, (1, _INNER), 1)
    i = k // (_T - 1)
    r = k % (_T - 1)
    j = r + (r >= i).astype(jnp.int32)
    ei_ref[0:1, 0:_S1] = i
    ei_ref[1:2, 0:_S1] = j
    ei_ref[:, _S1:_S2] = gei_ref[...] + _T
    c = lax.broadcasted_iota(jnp.int32, (1, _CROSS), 1)
    ei_ref[0:1, _S2:_S3] = c // _N
    ei_ref[1:2, _S2:_S3] = c % _N + _T
    ei_ref[0:1, _S3:_EDGES] = c // _T + _T
    ei_ref[1:2, _S3:_EDGES] = c % _T


def _ew_tc_body(w_ref, rep_ref, sh_ref, ew_ref):
    idx = lax.broadcasted_iota(jnp.int32, (128,), 0)
    sh = jnp.broadcast_to(sh_ref[...], (128,))
    ew_ref[pl.ds(0, 128)] = jnp.where(idx < _S1, sh, 1.0)
    ew_ref[pl.ds(128, _S2 - 128)] = jnp.ones((_S2 - 128,), jnp.float32)
    for t in range(_T):
        ew_ref[pl.ds(_S2 + t * _N, _N)] = w_ref[...]
    ew_ref[pl.ds(_S3, _CROSS)] = rep_ref[...]


def _ew_sc_body(spd_hbm, par_hbm, w_hbm, rep_hbm,
                spd_v, param_v, piece_v, rep_v, wv_v, wv_sh):
    s = lax.axis_index("s")
    c = lax.axis_index("c")
    wid = s * 2 + c
    lane = lax.iota(jnp.int32, 16)

    pltpu.sync_copy(spd_hbm, spd_v)
    pltpu.sync_copy(par_hbm, param_v)

    base_k = s * _PIECE

    def piece_step(it, carry):
        k = base_k + it * 16 + lane
        idx = jnp.minimum(k, _N - 1)
        sp = plsc.load_gather(spd_v, [idx])
        sp = jnp.minimum(jnp.maximum(sp, 0), _LEN_P1 - 1)
        piece_v[pl.ds(it * 16, 16)] = plsc.load_gather(param_v, [sp])
        return carry

    @pl.when(s < 15)
    def _():
        lax.fori_loop(0, _PIECE // 16, piece_step, 0, unroll=8)
        pltpu.sync_copy(piece_v, wv_sh.at[pl.ds(base_k, _PIECE)])

    @pl.when(s == 15)
    def _():
        lax.fori_loop(0, (_WV_PAD - 15 * _PIECE) // 16, piece_step, 0,
                      unroll=8)
        pltpu.sync_copy(piece_v.at[pl.ds(0, _WV_PAD - 15 * _PIECE)],
                        wv_sh.at[pl.ds(base_k, _WV_PAD - 15 * _PIECE)])

    plsc.subcore_barrier()
    pltpu.sync_copy(wv_sh, wv_v)

    w_lo = wid * _W_PER_W

    @pl.when(wid < _NWORKERS - 1)
    def _():
        pltpu.sync_copy(wv_v.at[pl.ds(w_lo, _W_PER_W)],
                        w_hbm.at[pl.ds(w_lo, _W_PER_W)])

    @pl.when(wid == _NWORKERS - 1)
    def _():
        lo = (_NWORKERS - 1) * _W_PER_W
        pltpu.sync_copy(wv_v.at[pl.ds(lo, _N - lo)],
                        w_hbm.at[pl.ds(lo, _N - lo)])

    rep_lo = wid * _REP_PER_W

    def rep_step(it, carry):
        j = rep_lo + it * 16 + lane
        i4 = jnp.minimum(lax.div(j, _T), _N - 1)
        rep_v[pl.ds(it * 16, 16)] = plsc.load_gather(wv_v, [i4])
        return carry

    @pl.when(wid < _NWORKERS - 1)
    def _():
        lax.fori_loop(0, _REP_PER_W // 16, rep_step, 0, unroll=8)
        pltpu.sync_copy(rep_v.at[pl.ds(0, _REP_PER_W)],
                        rep_hbm.at[pl.ds(rep_lo, _REP_PER_W)])

    @pl.when(wid == _NWORKERS - 1)
    def _():
        tail = _CROSS - (_NWORKERS - 1) * _REP_PER_W
        lax.fori_loop(0, tail // 16, rep_step, 0, unroll=8)
        pltpu.sync_copy(rep_v.at[pl.ds(0, tail)],
                        rep_hbm.at[pl.ds((_NWORKERS - 1) * _REP_PER_W, tail)])


@functools.cache
def _ew_sc_call():
    return functools.partial(
        pl.kernel,
        mesh=plsc.VectorSubcoreMesh(core_axis_name="c", subcore_axis_name="s"),
        compiler_params=pltpu.CompilerParams(needs_layout_passes=False),
        out_type=(
            jax.ShapeDtypeStruct((_N,), jnp.float32),
            jax.ShapeDtypeStruct((_CROSS,), jnp.float32),
        ),
        scratch_types=[
            pltpu.VMEM((_N,), jnp.int32),
            pltpu.VMEM((16,), jnp.float32),
            pltpu.VMEM((_PIECE,), jnp.float32),
            pltpu.VMEM((_REP_PER_W,), jnp.float32),
            pltpu.VMEM((_WV_PAD,), jnp.float32),
            pltpu.VMEM_SHARED((_WV_PAD,), jnp.float32),
        ],
    )(_ew_sc_body)


def kernel(g_x, g_pe, g_edge_index, g_spd, g_root_n_index, token_list,
           token_pe, shared_edge_weight, edge_weight_param, de, drop_e):
    x, pe, ei = pl.pallas_call(
        _tc_body,
        out_shape=(
            jax.ShapeDtypeStruct((_T + _N, 128), jnp.float32),
            jax.ShapeDtypeStruct((_T + _N, 32), jnp.float32),
            jax.ShapeDtypeStruct((2, _EDGES), jnp.int32),
        ),
    )(token_list, g_x, token_pe, g_pe, g_edge_index)

    param16 = jnp.concatenate([
        edge_weight_param.astype(jnp.float32),
        jnp.zeros((16 - _LEN_P1,), jnp.float32),
    ])
    w, rep = _ew_sc_call()(g_spd, param16)

    ew = pl.pallas_call(
        _ew_tc_body,
        out_shape=jax.ShapeDtypeStruct((_EDGES,), jnp.float32),
    )(w, rep, jnp.reshape(shared_edge_weight.astype(jnp.float32), (1,)))

    root = g_root_n_index + _T
    return (x, pe, ei, ew, root)

# --- scband reference (transcript-rebuilt; emitter-appended) ---
"""Pipeline reference for scband-heavy-prompt-88965952569882 (READ-ONLY COPY).

The authoritative reference and input builder live on the scoring server;
editing this copy changes nothing except your own understanding.
"""

import jax, jax.numpy as jnp
import numpy as np

T = 10
LEN_P1 = 5
N = 10000
E = 320000
D = 128

def setup_inputs(seed: int = 0) -> dict:
    key = jax.random.key(seed)
    ks = jax.random.split(key, 6)
    g_x = jax.random.normal(ks[0], (N, D), dtype=jnp.float32)
    g_pe = jax.random.normal(ks[1], (N, 32), dtype=jnp.float32)
    g_edge_index = jax.random.randint(ks[2], (2, E), 0, N, dtype=jnp.int32)
    g_spd = jax.random.randint(ks[3], (N,), 0, 8, dtype=jnp.int32)
    g_root_n_index = jax.random.randint(ks[4], (1,), 0, N, dtype=jnp.int32)
    token_list = jax.random.normal(ks[5], (T, D), dtype=jnp.float32) * float(1.0 / np.sqrt(D))
    token_pe = jnp.zeros((T, 32), dtype=jnp.float32)
    shared_edge_weight = jnp.array(1.0, dtype=jnp.float32)
    edge_weight_param = jnp.ones((LEN_P1,), dtype=jnp.float32)
    return {"g_x": g_x, "g_pe": g_pe, "g_edge_index": g_edge_index, "g_spd": g_spd,
            "g_root_n_index": g_root_n_index, "token_list": token_list, "token_pe": token_pe,
            "shared_edge_weight": shared_edge_weight, "edge_weight_param": edge_weight_param,
            "de": 0, "drop_e": 0.0}

def reference(g_x, g_pe, g_edge_index, g_spd, g_root_n_index, token_list, token_pe,
              shared_edge_weight, edge_weight_param, de, drop_e):
    Tn = token_list.shape[0]
    Nn = g_x.shape[0]
    # inner prompt-token graph: fully connected minus self loops (dense_to_sparse row-major order)
    ii_np, jj_np = np.meshgrid(np.arange(Tn), np.arange(Tn), indexing='ij')
    ii_np = ii_np.reshape(-1); jj_np = jj_np.reshape(-1)
    keep_np = ii_np != jj_np
    inner_edge_index = jnp.asarray(np.stack([ii_np[keep_np], jj_np[keep_np]], axis=0), dtype=jnp.int32)
    inner_edge_weight = jnp.broadcast_to(shared_edge_weight, (inner_edge_index.shape[1],))
    # offset graph edges and root index by token_num (de=False so no dropout_edge)
    g_ei = g_edge_index + Tn
    root = g_root_n_index + Tn
    # cross edges: every prompt token -> every graph node
    pi, gi = jnp.meshgrid(jnp.arange(Tn), jnp.arange(Nn), indexing='ij')
    pi_f = pi.reshape(-1); gi_f = gi.reshape(-1)
    cross_ei = jnp.stack([pi_f, gi_f + Tn], axis=0)
    spd_clamped = jnp.clip(g_spd, 0, edge_weight_param.shape[0] - 1)
    # spd_clamped.repeat(T)[gi_f] == spd_clamped[gi_f] since gi_f values are in [0, N)
    cross_w = jnp.take(edge_weight_param, jnp.take(spd_clamped, gi_f))
    # to_undirected with reduce='mean': add reversed edges, coalesce-sort by (row, col);
    # token->node and node->token pairs are disjoint and unique, so mean == identity after sort
    ei2 = jnp.concatenate([cross_ei, cross_ei[::-1, :]], axis=1)
    w2 = jnp.concatenate([cross_w, cross_w], axis=0)
    tot = Tn + Nn
    lin = ei2[0] * tot + ei2[1]
    order = jnp.argsort(lin)
    cross_ei_u = ei2[:, order]
    cross_w_u = jnp.take(w2, order)
    g_w = jnp.ones((g_ei.shape[1],), dtype=cross_w_u.dtype)
    x = jnp.concatenate([token_list, g_x], axis=0)
    pe = jnp.concatenate([token_pe, g_pe], axis=0)
    edge_index = jnp.concatenate([inner_edge_index.astype(g_ei.dtype), g_ei, cross_ei_u.astype(g_ei.dtype)], axis=1)
    edge_weight = jnp.concatenate([inner_edge_weight, g_w, cross_w_u], axis=0)
    return (x, pe, edge_index, edge_weight, root)

if __name__ == "__main__":
    import jax
    _d = setup_inputs()
    print(jax.jit(kernel)(*tuple(_d.values())))

</pallas_src>

<mosaic_0001>
#map = affine_map<(d0, d1) -> (0)>
module attributes {stable_mosaic.version = 14 : i64} {
  func.func @_ew_sc_body(%arg0: i32, %arg1: i32, %arg2: memref<10000xi32, #tpu.memory_space<hbm>>, %arg3: memref<16xf32, #tpu.memory_space<hbm>>, %arg4: memref<10000xf32, #tpu.memory_space<hbm>>, %arg5: memref<100000xf32, #tpu.memory_space<hbm>>, %arg6: memref<10000xi32, #tpu.memory_space<vmem>>, %arg7: memref<16xf32, #tpu.memory_space<vmem>>, %arg8: memref<640xf32, #tpu.memory_space<vmem>>, %arg9: memref<3136xf32, #tpu.memory_space<vmem>>, %arg10: memref<10016xf32, #tpu.memory_space<vmem>>, %arg11: memref<10016xf32, #tpu.memory_space<vmem_shared>>) attributes {dimension_semantics = [#tpu.dimension_semantics<core_parallel>, #tpu.dimension_semantics<subcore_parallel>], iteration_bounds = array<i64: 2, 16>, scalar_prefetch = 0 : i64, scratch_operands = 6 : i64, tpu.core_type = #tpu.core_type<sc_vector_subcore>, window_params = [{transform_indices = #map}, {transform_indices = #map}, {transform_indices = #map}, {transform_indices = #map}]} {
    %mul3A = arith.constant 2 : i32
    %mul3A_0 = arith.muli %arg1, %mul3A : i32
    %add3A = arith.addi %mul3A_0, %arg0 : i32
    %iota3A = tpu.iota {dimensions = array<i32: 0>} : vector<16xi32>
    "tpu.region"() ({
      %run_scoped3A = tpu.sem_alloc : memref<!tpu.dma_semaphore, #tpu.memory_space<semaphore_mem>>
      tpu.enqueue_dma source(%arg2 : memref<10000xi32, #tpu.memory_space<hbm>>) target(%arg6 : memref<10000xi32, #tpu.memory_space<vmem>>) target_semaphore(%run_scoped3A : memref<!tpu.dma_semaphore, #tpu.memory_space<semaphore_mem>>)
      tpu.wait_dma2 semaphore(%run_scoped3A : memref<!tpu.dma_semaphore, #tpu.memory_space<semaphore_mem>>) src(%arg2 : memref<10000xi32, #tpu.memory_space<hbm>>) dst(%arg6 : memref<10000xi32, #tpu.memory_space<vmem>>)
      tpu.yield
    }) : () -> ()
    "tpu.region"() ({
      %run_scoped3A = tpu.sem_alloc : memref<!tpu.dma_semaphore, #tpu.memory_space<semaphore_mem>>
      tpu.enqueue_dma source(%arg3 : memref<16xf32, #tpu.memory_space<hbm>>) target(%arg7 : memref<16xf32, #tpu.memory_space<vmem>>) target_semaphore(%run_scoped3A : memref<!tpu.dma_semaphore, #tpu.memory_space<semaphore_mem>>)
      tpu.wait_dma2 semaphore(%run_scoped3A : memref<!tpu.dma_semaphore, #tpu.memory_space<semaphore_mem>>) src(%arg3 : memref<16xf32, #tpu.memory_space<hbm>>) dst(%arg7 : memref<16xf32, #tpu.memory_space<vmem>>)
      tpu.yield
    }) : () -> ()
    %mul3A_1 = arith.constant 640 : i32
    %mul3A_2 = arith.muli %arg1, %mul3A_1 : i32
    %lt3A = arith.constant 15 : i32
    %lt3A_3 = arith.cmpi slt, %arg1, %lt3A : i32
    %convert_element_type3A = arith.extui %lt3A_3 : i1 to i32
    %cond3A = arith.constant 0 : i32
    %cond3A_4 = arith.cmpi ne, %convert_element_type3A, %cond3A : i32
    scf.if %cond3A_4 {
      %scan3A = arith.constant 0 : i32
      %scan3A_33 = arith.constant 0 : i32
      %scan3A_34 = arith.constant 40 : i32
      %scan3A_35 = arith.addi %scan3A_33, %scan3A_34 : i32
      %scan3A_36 = arith.constant 8 : i32
      scf.for %scan3A_38 = %scan3A_33 to %scan3A_35 step %scan3A_36  : i32 {
        %mul3A_39 = arith.constant 16 : i32
        %mul3A_40 = arith.muli %scan3A_38, %mul3A_39 : i32
        %add3A_41 = arith.addi %mul3A_2, %mul3A_40 : i32
        %add3A_42 = vector.broadcast %add3A_41 : i32 to vector<16xi32>
        %add3A_43 = arith.addi %add3A_42, %iota3A : vector<16xi32>
        %min3A = arith.constant 9999 : i32
        %min3A_44 = vector.broadcast %min3A : i32 to vector<16xi32>
        %min3A_45 = arith.minsi %add3A_43, %min3A_44 : vector<16xi32>
        %gather3A = tpu.vector_load_idx %arg6[%min3A_45] : memref<10000xi32, #tpu.memory_space<vmem>>[vector<16xi32>], vector<16xi32>,
        %max3A = arith.constant 0 : i32
        %max3A_46 = vector.broadcast %max3A : i32 to vector<16xi32>
        %max3A_47 = arith.maxsi %gather3A, %max3A_46 : vector<16xi32>
        %min3A_48 = arith.constant 4 : i32
        %min3A_49 = vector.broadcast %min3A_48 : i32 to vector<16xi32>
        %min3A_50 = arith.minsi %max3A_47, %min3A_49 : vector<16xi32>
        %gather3A_51 = tpu.vector_load_idx %arg7[%min3A_50] : memref<16xf32, #tpu.memory_space<vmem>>[vector<16xi32>], vector<16xf32>,
        %mul3A_52 = arith.constant 16 : i32
        %mul3A_53 = arith.muli %scan3A_38, %mul3A_52 : i32
        %swap3A = arith.index_cast %mul3A_53 : i32 to index
        %swap3A_54 = tpu.vector_load %arg8[%swap3A] {strides = array<i32>} : memref<640xf32, #tpu.memory_space<vmem>>, vector<16xf32>,
        tpu.vector_store %arg8[%swap3A], %gather3A_51 {strides = array<i32>} : memref<640xf32, #tpu.memory_space<vmem>>, vector<16xf32>,
        %scan3A_55 = arith.constant 1 : i32
        %scan3A_56 = arith.addi %scan3A_38, %scan3A_55 : i32
        %mul3A_57 = arith.constant 16 : i32
        %mul3A_58 = arith.muli %scan3A_56, %mul3A_57 : i32
        %add3A_59 = arith.addi %mul3A_2, %mul3A_58 : i32
        %add3A_60 = vector.broadcast %add3A_59 : i32 to vector<16xi32>
        %add3A_61 = arith.addi %add3A_60, %iota3A : vector<16xi32>
        %min3A_62 = arith.constant 9999 : i32
        %min3A_63 = vector.broadcast %min3A_62 : i32 to vector<16xi32>
        %min3A_64 = arith.minsi %add3A_61, %min3A_63 : vector<16xi32>
        %gather3A_65 = tpu.vector_load_idx %arg6[%min3A_64] : memref<10000xi32, #tpu.memory_space<vmem>>[vector<16xi32>], vector<16xi32>,
        %max3A_66 = arith.constant 0 : i32
        %max3A_67 = vector.broadcast %max3A_66 : i32 to vector<16xi32>
        %max3A_68 = arith.maxsi %gather3A_65, %max3A_67 : vector<16xi32>
        %min3A_69 = arith.constant 4 : i32
        %min3A_70 = vector.broadcast %min3A_69 : i32 to vector<16xi32>
        %min3A_71 = arith.minsi %max3A_68, %min3A_70 : vector<16xi32>
        %gather3A_72 = tpu.vector_load_idx %arg7[%min3A_71] : memref<16xf32, #tpu.memory_space<vmem>>[vector<16xi32>], vector<16xf32>,
        %mul3A_73 = arith.constant 16 : i32
        %mul3A_74 = arith.muli %scan3A_56, %mul3A_73 : i32
        %swap3A_75 = arith.index_cast %mul3A_74 : i32 to index
        %swap3A_76 = tpu.vector_load %arg8[%swap3A_75] {strides = array<i32>} : memref<640xf32, #tpu.memory_space<vmem>>, vector<16xf32>,
        tpu.vector_store %arg8[%swap3A_75], %gather3A_72 {strides = array<i32>} : memref<640xf32, #tpu.memory_space<vmem>>, vector<16xf32>,
        %scan3A_77 = arith.constant 2 : i32
        %scan3A_78 = arith.addi %scan3A_38, %scan3A_77 : i32
        %mul3A_79 = arith.constant 16 : i32
        %mul3A_80 = arith.muli %scan3A_78, %mul3A_79 : i32
        %add3A_81 = arith.addi %mul3A_2, %mul3A_80 : i32
        %add3A_82 = vector.broadcast %add3A_81 : i32 to vector<16xi32>
        %add3A_83 = arith.addi %add3A_82, %iota3A : vector<16xi32>
        %min3A_84 = arith.constant 9999 : i32
        %min3A_85 = vector.broadcast %min3A_84 : i32 to vector<16xi32>
        %min3A_86 = arith.minsi %add3A_83, %min3A_85 : vector<16xi32>
        %gather3A_87 = tpu.vector_load_idx %arg6[%min3A_86] : memref<10000xi32, #tpu.memory_space<vmem>>[vector<16xi32>], vector<16xi32>,
        %max3A_88 = arith.constant 0 : i32
        %max3A_89 = vector.broadcast %max3A_88 : i32 to vector<16xi32>
        %max3A_90 = arith.maxsi %gather3A_87, %max3A_89 : vector<16xi32>
        %min3A_91 = arith.constant 4 : i32
        %min3A_92 = vector.broadcast %min3A_91 : i32 to vector<16xi32>
        %min3A_93 = arith.minsi %max3A_90, %min3A_92 : vector<16xi32>
        %gather3A_94 = tpu.vector_load_idx %arg7[%min3A_93] : memref<16xf32, #tpu.memory_space<vmem>>[vector<16xi32>], vector<16xf32>,
        %mul3A_95 = arith.constant 16 : i32
        %mul3A_96 = arith.muli %scan3A_78, %mul3A_95 : i32
        %swap3A_97 = arith.index_cast %mul3A_96 : i32 to index
        %swap3A_98 = tpu.vector_load %arg8[%swap3A_97] {strides = array<i32>} : memref<640xf32, #tpu.memory_space<vmem>>, vector<16xf32>,
        tpu.vector_store %arg8[%swap3A_97], %gather3A_94 {strides = array<i32>} : memref<640xf32, #tpu.memory_space<vmem>>, vector<16xf32>,
        %scan3A_99 = arith.constant 3 : i32
        %scan3A_100 = arith.addi %scan3A_38, %scan3A_99 : i32
        %mul3A_101 = arith.constant 16 : i32
        %mul3A_102 = arith.muli %scan3A_100, %mul3A_101 : i32
        %add3A_103 = arith.addi %mul3A_2, %mul3A_102 : i32
        %add3A_104 = vector.broadcast %add3A_103 : i32 to vector<16xi32>
        %add3A_105 = arith.addi %add3A_104, %iota3A : vector<16xi32>
        %min3A_106 = arith.constant 9999 : i32
        %min3A_107 = vector.broadcast %min3A_106 : i32 to vector<16xi32>
        %min3A_108 = arith.minsi %add3A_105, %min3A_107 : vector<16xi32>
        %gather3A_109 = tpu.vector_load_idx %arg6[%min3A_108] : memref<10000xi32, #tpu.memory_space<vmem>>[vector<16xi32>], vector<16xi32>,
        %max3A_110 = arith.constant 0 : i32
        %max3A_111 = vector.broadcast %max3A_110 : i32 to vector<16xi32>
        %max3A_112 = arith.maxsi %gather3A_109, %max3A_111 : vector<16xi32>
        %min3A_113 = arith.constant 4 : i32
        %min3A_114 = vector.broadcast %min3A_113 : i32 to vector<16xi32>
        %min3A_115 = arith.minsi %max3A_112, %min3A_114 : vector<16xi32>
        %gather3A_116 = tpu.vector_load_idx %arg7[%min3A_115] : memref<16xf32, #tpu.memory_space<vmem>>[vector<16xi32>], vector<16xf32>,
        %mul3A_117 = arith.constant 16 : i32
        %mul3A_118 = arith.muli %scan3A_100, %mul3A_117 : i32
        %swap3A_119 = arith.index_cast %mul3A_118 : i32 to index
        %swap3A_120 = tpu.vector_load %arg8[%swap3A_119] {strides = array<i32>} : memref<640xf32, #tpu.memory_space<vmem>>, vector<16xf32>,
        tpu.vector_store %arg8[%swap3A_119], %gather3A_116 {strides = array<i32>} : memref<640xf32, #tpu.memory_space<vmem>>, vector<16xf32>,
        %scan3A_121 = arith.constant 4 : i32
        %scan3A_122 = arith.addi %scan3A_38, %scan3A_121 : i32
        %mul3A_123 = arith.constant 16 : i32
        %mul3A_124 = arith.muli %scan3A_122, %mul3A_123 : i32
        %add3A_125 = arith.addi %mul3A_2, %mul3A_124 : i32
        %add3A_126 = vector.broadcast %add3A_125 : i32 to vector<16xi32>
        %add3A_127 = arith.addi %add3A_126, %iota3A : vector<16xi32>
        %min3A_128 = arith.constant 9999 : i32
        %min3A_129 = vector.broadcast %min3A_128 : i32 to vector<16xi32>
        %min3A_130 = arith.minsi %add3A_127, %min3A_129 : vector<16xi32>
        %gather3A_131 = tpu.vector_load_idx %arg6[%min3A_130] : memref<10000xi32, #tpu.memory_space<vmem>>[vector<16xi32>], vector<16xi32>,
        %max3A_132 = arith.constant 0 : i32
        %max3A_133 = vector.broadcast %max3A_132 : i32 to vector<16xi32>
        %max3A_134 = arith.maxsi %gather3A_131, %max3A_133 : vector<16xi32>
        %min3A_135 = arith.constant 4 : i32
        %min3A_136 = vector.broadcast %min3A_135 : i32 to vector<16xi32>
        %min3A_137 = arith.minsi %max3A_134, %min3A_136 : vector<16xi32>
        %gather3A_138 = tpu.vector_load_idx %arg7[%min3A_137] : memref<16xf32, #tpu.memory_space<vmem>>[vector<16xi32>], vector<16xf32>,
        %mul3A_139 = arith.constant 16 : i32
        %mul3A_140 = arith.muli %scan3A_122, %mul3A_139 : i32
        %swap3A_141 = arith.index_cast %mul3A_140 : i32 to index
        %swap3A_142 = tpu.vector_load %arg8[%swap3A_141] {strides = array<i32>} : memref<640xf32, #tpu.memory_space<vmem>>, vector<16xf32>,
        tpu.vector_store %arg8[%swap3A_141], %gather3A_138 {strides = array<i32>} : memref<640xf32, #tpu.memory_space<vmem>>, vector<16xf32>,
        %scan3A_143 = arith.constant 5 : i32
        %scan3A_144 = arith.addi %scan3A_38, %scan3A_143 : i32
        %mul3A_145 = arith.constant 16 : i32
        %mul3A_146 = arith.muli %scan3A_144, %mul3A_145 : i32
        %add3A_147 = arith.addi %mul3A_2, %mul3A_146 : i32
        %add3A_148 = vector.broadcast %add3A_147 : i32 to vector<16xi32>
        %add3A_149 = arith.addi %add3A_148, %iota3A : vector<16xi32>
        %min3A_150 = arith.constant 9999 : i32
        %min3A_151 = vector.broadcast %min3A_150 : i32 to vector<16xi32>
        %min3A_152 = arith.minsi %add3A_149, %min3A_151 : vector<16xi32>
        %gather3A_153 = tpu.vector_load_idx %arg6[%min3A_152] : memref<10000xi32, #tpu.memory_space<vmem>>[vector<16xi32>], vector<16xi32>,
        %max3A_154 = arith.constant 0 : i32
        %max3A_155 = vector.broadcast %max3A_154 : i32 to vector<16xi32>
        %max3A_156 = arith.maxsi %gather3A_153, %max3A_155 : vector<16xi32>
        %min3A_157 = arith.constant 4 : i32
        %min3A_158 = vector.broadcast %min3A_157 : i32 to vector<16xi32>
        %min3A_159 = arith.minsi %max3A_156, %min3A_158 : vector<16xi32>
        %gather3A_160 = tpu.vector_load_idx %arg7[%min3A_159] : memref<16xf32, #tpu.memory_space<vmem>>[vector<16xi32>], vector<16xf32>,
        %mul3A_161 = arith.constant 16 : i32
        %mul3A_162 = arith.muli %scan3A_144, %mul3A_161 : i32
        %swap3A_163 = arith.index_cast %mul3A_162 : i32 to index
        %swap3A_164 = tpu.vector_load %arg8[%swap3A_163] {strides = array<i32>} : memref<640xf32, #tpu.memory_space<vmem>>, vector<16xf32>,
        tpu.vector_store %arg8[%swap3A_163], %gather3A_160 {strides = array<i32>} : memref<640xf32, #tpu.memory_space<vmem>>, vector<16xf32>,
        %scan3A_165 = arith.constant 6 : i32
        %scan3A_166 = arith.addi %scan3A_38, %scan3A_165 : i32
        %mul3A_167 = arith.constant 16 : i32
        %mul3A_168 = arith.muli %scan3A_166, %mul3A_167 : i32
        %add3A_169 = arith.addi %mul3A_2, %mul3A_168 : i32
        %add3A_170 = vector.broadcast %add3A_169 : i32 to vector<16xi32>
        %add3A_171 = arith.addi %add3A_170, %iota3A : vector<16xi32>
        %min3A_172 = arith.constant 9999 : i32
        %min3A_173 = vector.broadcast %min3A_172 : i32 to vector<16xi32>
        %min3A_174 = arith.minsi %add3A_171, %min3A_173 : vector<16xi32>
        %gather3A_175 = tpu.vector_load_idx %arg6[%min3A_174] : memref<10000xi32, #tpu.memory_space<vmem>>[vector<16xi32>], vector<16xi32>,
        %max3A_176 = arith.constant 0 : i32
        %max3A_177 = vector.broadcast %max3A_176 : i32 to vector<16xi32>
        %max3A_178 = arith.maxsi %gather3A_175, %max3A_177 : vector<16xi32>
        %min3A_179 = arith.constant 4 : i32
        %min3A_180 = vector.broadcast %min3A_179 : i32 to vector<16xi32>
        %min3A_181 = arith.minsi %max3A_178, %min3A_180 : vector<16xi32>
        %gather3A_182 = tpu.vector_load_idx %arg7[%min3A_181] : memref<16xf32, #tpu.memory_space<vmem>>[vector<16xi32>], vector<16xf32>,
        %mul3A_183 = arith.constant 16 : i32
        %mul3A_184 = arith.muli %scan3A_166, %mul3A_183 : i32
        %swap3A_185 = arith.index_cast %mul3A_184 : i32 to index
        %swap3A_186 = tpu.vector_load %arg8[%swap3A_185] {strides = array<i32>} : memref<640xf32, #tpu.memory_space<vmem>>, vector<16xf32>,
        tpu.vector_store %arg8[%swap3A_185], %gather3A_182 {strides = array<i32>} : memref<640xf32, #tpu.memory_space<vmem>>, vector<16xf32>,
        %scan3A_187 = arith.constant 7 : i32
        %scan3A_188 = arith.addi %scan3A_38, %scan3A_187 : i32
        %mul3A_189 = arith.constant 16 : i32
        %mul3A_190 = arith.muli %scan3A_188, %mul3A_189 : i32
        %add3A_191 = arith.addi %mul3A_2, %mul3A_190 : i32
        %add3A_192 = vector.broadcast %add3A_191 : i32 to vector<16xi32>
        %add3A_193 = arith.addi %add3A_192, %iota3A : vector<16xi32>
        %min3A_194 = arith.constant 9999 : i32
        %min3A_195 = vector.broadcast %min3A_194 : i32 to vector<16xi32>
        %min3A_196 = arith.minsi %add3A_193, %min3A_195 : vector<16xi32>
        %gather3A_197 = tpu.vector_load_idx %arg6[%min3A_196] : memref<10000xi32, #tpu.memory_space<vmem>>[vector<16xi32>], vector<16xi32>,
        %max3A_198 = arith.constant 0 : i32
        %max3A_199 = vector.broadcast %max3A_198 : i32 to vector<16xi32>
        %max3A_200 = arith.maxsi %gather3A_197, %max3A_199 : vector<16xi32>
        %min3A_201 = arith.constant 4 : i32
        %min3A_202 = vector.broadcast %min3A_201 : i32 to vector<16xi32>
        %min3A_203 = arith.minsi %max3A_200, %min3A_202 : vector<16xi32>
        %gather3A_204 = tpu.vector_load_idx %arg7[%min3A_203] : memref<16xf32, #tpu.memory_space<vmem>>[vector<16xi32>], vector<16xf32>,
        %mul3A_205 = arith.constant 16 : i32
        %mul3A_206 = arith.muli %scan3A_188, %mul3A_205 : i32
        %swap3A_207 = arith.index_cast %mul3A_206 : i32 to index
        %swap3A_208 = tpu.vector_load %arg8[%swap3A_207] {strides = array<i32>} : memref<640xf32, #tpu.memory_space<vmem>>, vector<16xf32>,
        tpu.vector_store %arg8[%swap3A_207], %gather3A_204 {strides = array<i32>} : memref<640xf32, #tpu.memory_space<vmem>>, vector<16xf32>,
      }
      %scan3A_37 = arith.constant 40 : i32
      "tpu.region"() ({
        %run_scoped3A = tpu.sem_alloc : memref<!tpu.dma_semaphore, #tpu.memory_space<semaphore_mem>>
        %dma_start3A = tpu.memref_slice %arg11[%mul3A_2] : memref<10016xf32, #tpu.memory_space<vmem_shared>> -> memref<640xf32, #tpu.memory_space<vmem_shared>>
        %dma_start3A_38 = tpu.memref_slice %arg11[%mul3A_2] : memref<10016xf32, #tpu.memory_space<vmem_shared>> -> memref<640xf32, #tpu.memory_space<vmem_shared>>
        tpu.enqueue_dma source(%arg8 : memref<640xf32, #tpu.memory_space<vmem>>) target(%dma_start3A_38 : memref<640xf32, #tpu.memory_space<vmem_shared>>) target_semaphore(%run_scoped3A : memref<!tpu.dma_semaphore, #tpu.memory_space<semaphore_mem>>)
        %dma_wait3A = tpu.memref_slice %arg11[%mul3A_2] : memref<10016xf32, #tpu.memory_space<vmem_shared>> -> memref<640xf32, #tpu.memory_space<vmem_shared>>
        %dma_wait3A_39 = tpu.memref_slice %arg11[%mul3A_2] : memref<10016xf32, #tpu.memory_space<vmem_shared>> -> memref<640xf32, #tpu.memory_space<vmem_shared>>
        tpu.wait_dma2 semaphore(%run_scoped3A : memref<!tpu.dma_semaphore, #tpu.memory_space<semaphore_mem>>) src(%arg8 : memref<640xf32, #tpu.memory_space<vmem>>) dst(%dma_wait3A_39 : memref<640xf32, #tpu.memory_space<vmem_shared>>)
        tpu.yield
      }) : () -> ()
    } else {
    }
    %eq3A = arith.constant 15 : i32
    %eq3A_5 = arith.cmpi eq, %arg1, %eq3A : i32
    %convert_element_type3A_6 = arith.extui %eq3A_5 : i1 to i32
    %cond3A_7 = arith.constant 0 : i32
    %cond3A_8 = arith.cmpi ne, %convert_element_type3A_6, %cond3A_7 : i32
    scf.if %cond3A_8 {
      %scan3A = arith.constant 0 : i32
      %scan3A_33 = arith.constant 0 : i32
      %scan3A_34 = arith.constant 24 : i32
      %scan3A_35 = arith.addi %scan3A_33, %scan3A_34 : i32
      %scan3A_36 = arith.constant 8 : i32
      scf.for %scan3A_78 = %scan3A_33 to %scan3A_35 step %scan3A_36  : i32 {
        %mul3A_79 = arith.constant 16 : i32
        %mul3A_80 = arith.muli %scan3A_78, %mul3A_79 : i32
        %add3A_81 = arith.addi %mul3A_2, %mul3A_80 : i32
        %add3A_82 = vector.broadcast %add3A_81 : i32 to vector<16xi32>
        %add3A_83 = arith.addi %add3A_82, %iota3A : vector<16xi32>
        %min3A_84 = arith.constant 9999 : i32
        %min3A_85 = vector.broadcast %min3A_84 : i32 to vector<16xi32>
        %min3A_86 = arith.minsi %add3A_83, %min3A_85 : vector<16xi32>
        %gather3A_87 = tpu.vector_load_idx %arg6[%min3A_86] : memref<10000xi32, #tpu.memory_space<vmem>>[vector<16xi32>], vector<16xi32>,
        %max3A_88 = arith.constant 0 : i32
        %max3A_89 = vector.broadcast %max3A_88 : i32 to vector<16xi32>
        %max3A_90 = arith.maxsi %gather3A_87, %max3A_89 : vector<16xi32>
        %min3A_91 = arith.constant 4 : i32
        %min3A_92 = vector.broadcast %min3A_91 : i32 to vector<16xi32>
        %min3A_93 = arith.minsi %max3A_90, %min3A_92 : vector<16xi32>
        %gather3A_94 = tpu.vector_load_idx %arg7[%min3A_93] : memref<16xf32, #tpu.memory_space<vmem>>[vector<16xi32>], vector<16xf32>,
        %mul3A_95 = arith.constant 16 : i32
        %mul3A_96 = arith.muli %scan3A_78, %mul3A_95 : i32
        %swap3A_97 = arith.index_cast %mul3A_96 : i32 to index
        %swap3A_98 = tpu.vector_load %arg8[%swap3A_97] {strides = array<i32>} : memref<640xf32, #tpu.memory_space<vmem>>, vector<16xf32>,
        tpu.vector_store %arg8[%swap3A_97], %gather3A_94 {strides = array<i32>} : memref<640xf32, #tpu.memory_space<vmem>>, vector<16xf32>,
        %scan3A_99 = arith.constant 1 : i32
        %scan3A_100 = arith.addi %scan3A_78, %scan3A_99 : i32
        %mul3A_101 = arith.constant 16 : i32
        %mul3A_102 = arith.muli %scan3A_100, %mul3A_101 : i32
        %add3A_103 = arith.addi %mul3A_2, %mul3A_102 : i32
        %add3A_104 = vector.broadcast %add3A_103 : i32 to vector<16xi32>
        %add3A_105 = arith.addi %add3A_104, %iota3A : vector<16xi32>
        %min3A_106 = arith.constant 9999 : i32
        %min3A_107 = vector.broadcast %min3A_106 : i32 to vector<16xi32>
        %min3A_108 = arith.minsi %add3A_105, %min3A_107 : vector<16xi32>
        %gather3A_109 = tpu.vector_load_idx %arg6[%min3A_108] : memref<10000xi32, #tpu.memory_space<vmem>>[vector<16xi32>], vector<16xi32>,
        %max3A_110 = arith.constant 0 : i32
        %max3A_111 = vector.broadcast %max3A_110 : i32 to vector<16xi32>
        %max3A_112 = arith.maxsi %gather3A_109, %max3A_111 : vector<16xi32>
        %min3A_113 = arith.constant 4 : i32
        %min3A_114 = vector.broadcast %min3A_113 : i32 to vector<16xi32>
        %min3A_115 = arith.minsi %max3A_112, %min3A_114 : vector<16xi32>
        %gather3A_116 = tpu.vector_load_idx %arg7[%min3A_115] : memref<16xf32, #tpu.memory_space<vmem>>[vector<16xi32>], vector<16xf32>,
        %mul3A_117 = arith.constant 16 : i32
        %mul3A_118 = arith.muli %scan3A_100, %mul3A_117 : i32
        %swap3A_119 = arith.index_cast %mul3A_118 : i32 to index
        %swap3A_120 = tpu.vector_load %arg8[%swap3A_119] {strides = array<i32>} : memref<640xf32, #tpu.memory_space<vmem>>, vector<16xf32>,
        tpu.vector_store %arg8[%swap3A_119], %gather3A_116 {strides = array<i32>} : memref<640xf32, #tpu.memory_space<vmem>>, vector<16xf32>,
        %scan3A_121 = arith.constant 2 : i32
        %scan3A_122 = arith.addi %scan3A_78, %scan3A_121 : i32
        %mul3A_123 = arith.constant 16 : i32
        %mul3A_124 = arith.muli %scan3A_122, %mul3A_123 : i32
        %add3A_125 = arith.addi %mul3A_2, %mul3A_124 : i32
        %add3A_126 = vector.broadcast %add3A_125 : i32 to vector<16xi32>
        %add3A_127 = arith.addi %add3A_126, %iota3A : vector<16xi32>
        %min3A_128 = arith.constant 9999 : i32
        %min3A_129 = vector.broadcast %min3A_128 : i32 to vector<16xi32>
        %min3A_130 = arith.minsi %add3A_127, %min3A_129 : vector<16xi32>
        %gather3A_131 = tpu.vector_load_idx %arg6[%min3A_130] : memref<10000xi32, #tpu.memory_space<vmem>>[vector<16xi32>], vector<16xi32>,
        %max3A_132 = arith.constant 0 : i32
        %max3A_133 = vector.broadcast %max3A_132 : i32 to vector<16xi32>
        %max3A_134 = arith.maxsi %gather3A_131, %max3A_133 : vector<16xi32>
        %min3A_135 = arith.constant 4 : i32
        %min3A_136 = vector.broadcast %min3A_135 : i32 to vector<16xi32>
        %min3A_137 = arith.minsi %max3A_134, %min3A_136 : vector<16xi32>
        %gather3A_138 = tpu.vector_load_idx %arg7[%min3A_137] : memref<16xf32, #tpu.memory_space<vmem>>[vector<16xi32>], vector<16xf32>,
        %mul3A_139 = arith.constant 16 : i32
        %mul3A_140 = arith.muli %scan3A_122, %mul3A_139 : i32
        %swap3A_141 = arith.index_cast %mul3A_140 : i32 to index
        %swap3A_142 = tpu.vector_load %arg8[%swap3A_141] {strides = array<i32>} : memref<640xf32, #tpu.memory_space<vmem>>, vector<16xf32>,
        tpu.vector_store %arg8[%swap3A_141], %gather3A_138 {strides = array<i32>} : memref<640xf32, #tpu.memory_space<vmem>>, vector<16xf32>,
        %scan3A_143 = arith.constant 3 : i32
        %scan3A_144 = arith.addi %scan3A_78, %scan3A_143 : i32
        %mul3A_145 = arith.constant 16 : i32
        %mul3A_146 = arith.muli %scan3A_144, %mul3A_145 : i32
        %add3A_147 = arith.addi %mul3A_2, %mul3A_146 : i32
        %add3A_148 = vector.broadcast %add3A_147 : i32 to vector<16xi32>
        %add3A_149 = arith.addi %add3A_148, %iota3A : vector<16xi32>
        %min3A_150 = arith.constant 9999 : i32
        %min3A_151 = vector.broadcast %min3A_150 : i32 to vector<16xi32>
        %min3A_152 = arith.minsi %add3A_149, %min3A_151 : vector<16xi32>
        %gather3A_153 = tpu.vector_load_idx %arg6[%min3A_152] : memref<10000xi32, #tpu.memory_space<vmem>>[vector<16xi32>], vector<16xi32>,
        %max3A_154 = arith.constant 0 : i32
        %max3A_155 = vector.broadcast %max3A_154 : i32 to vector<16xi32>
        %max3A_156 = arith.maxsi %gather3A_153, %max3A_155 : vector<16xi32>
        %min3A_157 = arith.constant 4 : i32
        %min3A_158 = vector.broadcast %min3A_157 : i32 to vector<16xi32>
        %min3A_159 = arith.minsi %max3A_156, %min3A_158 : vector<16xi32>
        %gather3A_160 = tpu.vector_load_idx %arg7[%min3A_159] : memref<16xf32, #tpu.memory_space<vmem>>[vector<16xi32>], vector<16xf32>,
        %mul3A_161 = arith.constant 16 : i32
        %mul3A_162 = arith.muli %scan3A_144, %mul3A_161 : i32
        %swap3A_163 = arith.index_cast %mul3A_162 : i32 to index
        %swap3A_164 = tpu.vector_load %arg8[%swap3A_163] {strides = array<i32>} : memref<640xf32, #tpu.memory_space<vmem>>, vector<16xf32>,
        tpu.vector_store %arg8[%swap3A_163], %gather3A_160 {strides = array<i32>} : memref<640xf32, #tpu.memory_space<vmem>>, vector<16xf32>,
        %scan3A_165 = arith.constant 4 : i32
        %scan3A_166 = arith.addi %scan3A_78, %scan3A_165 : i32
        %mul3A_167 = arith.constant 16 : i32
        %mul3A_168 = arith.muli %scan3A_166, %mul3A_167 : i32
        %add3A_169 = arith.addi %mul3A_2, %mul3A_168 : i32
        %add3A_170 = vector.broadcast %add3A_169 : i32 to vector<16xi32>
        %add3A_171 = arith.addi %add3A_170, %iota3A : vector<16xi32>
        %min3A_172 = arith.constant 9999 : i32
        %min3A_173 = vector.broadcast %min3A_172 : i32 to vector<16xi32>
        %min3A_174 = arith.minsi %add3A_171, %min3A_173 : vector<16xi32>
        %gather3A_175 = tpu.vector_load_idx %arg6[%min3A_174] : memref<10000xi32, #tpu.memory_space<vmem>>[vector<16xi32>], vector<16xi32>,
        %max3A_176 = arith.constant 0 : i32
        %max3A_177 = vector.broadcast %max3A_176 : i32 to vector<16xi32>
        %max3A_178 = arith.maxsi %gather3A_175, %max3A_177 : vector<16xi32>
        %min3A_179 = arith.constant 4 : i32
        %min3A_180 = vector.broadcast %min3A_179 : i32 to vector<16xi32>
        %min3A_181 = arith.minsi %max3A_178, %min3A_180 : vector<16xi32>
        %gather3A_182 = tpu.vector_load_idx %arg7[%min3A_181] : memref<16xf32, #tpu.memory_space<vmem>>[vector<16xi32>], vector<16xf32>,
        %mul3A_183 = arith.constant 16 : i32
        %mul3A_184 = arith.muli %scan3A_166, %mul3A_183 : i32
        %swap3A_185 = arith.index_cast %mul3A_184 : i32 to index
        %swap3A_186 = tpu.vector_load %arg8[%swap3A_185] {strides = array<i32>} : memref<640xf32, #tpu.memory_space<vmem>>, vector<16xf32>,
        tpu.vector_store %arg8[%swap3A_185], %gather3A_182 {strides = array<i32>} : memref<640xf32, #tpu.memory_space<vmem>>, vector<16xf32>,
        %scan3A_187 = arith.constant 5 : i32
        %scan3A_188 = arith.addi %scan3A_78, %scan3A_187 : i32
        %mul3A_189 = arith.constant 16 : i32
        %mul3A_190 = arith.muli %scan3A_188, %mul3A_189 : i32
        %add3A_191 = arith.addi %mul3A_2, %mul3A_190 : i32
        %add3A_192 = vector.broadcast %add3A_191 : i32 to vector<16xi32>
        %add3A_193 = arith.addi %add3A_192, %iota3A : vector<16xi32>
        %min3A_194 = arith.constant 9999 : i32
        %min3A_195 = vector.broadcast %min3A_194 : i32 to vector<16xi32>
        %min3A_196 = arith.minsi %add3A_193, %min3A_195 : vector<16xi32>
        %gather3A_197 = tpu.vector_load_idx %arg6[%min3A_196] : memref<10000xi32, #tpu.memory_space<vmem>>[vector<16xi32>], vector<16xi32>,
        %max3A_198 = arith.constant 0 : i32
        %max3A_199 = vector.broadcast %max3A_198 : i32 to vector<16xi32>
        %max3A_200 = arith.maxsi %gather3A_197, %max3A_199 : vector<16xi32>
        %min3A_201 = arith.constant 4 : i32
        %min3A_202 = vector.broadcast %min3A_201 : i32 to vector<16xi32>
        %min3A_203 = arith.minsi %max3A_200, %min3A_202 : vector<16xi32>
        %gather3A_204 = tpu.vector_load_idx %arg7[%min3A_203] : memref<16xf32, #tpu.memory_space<vmem>>[vector<16xi32>], vector<16xf32>,
        %mul3A_205 = arith.constant 16 : i32
        %mul3A_206 = arith.muli %scan3A_188, %mul3A_205 : i32
        %swap3A_207 = arith.index_cast %mul3A_206 : i32 to index
        %swap3A_208 = tpu.vector_load %arg8[%swap3A_207] {strides = array<i32>} : memref<640xf32, #tpu.memory_space<vmem>>, vector<16xf32>,
        tpu.vector_store %arg8[%swap3A_207], %gather3A_204 {strides = array<i32>} : memref<640xf32, #tpu.memory_space<vmem>>, vector<16xf32>,
        %scan3A_209 = arith.constant 6 : i32
        %scan3A_210 = arith.addi %scan3A_78, %scan3A_209 : i32
        %mul3A_211 = arith.constant 16 : i32
        %mul3A_212 = arith.muli %scan3A_210, %mul3A_211 : i32
        %add3A_213 = arith.addi %mul3A_2, %mul3A_212 : i32
        %add3A_214 = vector.broadcast %add3A_213 : i32 to vector<16xi32>
        %add3A_215 = arith.addi %add3A_214, %iota3A : vector<16xi32>
        %min3A_216 = arith.constant 9999 : i32
        %min3A_217 = vector.broadcast %min3A_216 : i32 to vector<16xi32>
        %min3A_218 = arith.minsi %add3A_215, %min3A_217 : vector<16xi32>
        %gather3A_219 = tpu.vector_load_idx %arg6[%min3A_218] : memref<10000xi32, #tpu.memory_space<vmem>>[vector<16xi32>], vector<16xi32>,
        %max3A_220 = arith.constant 0 : i32
        %max3A_221 = vector.broadcast %max3A_220 : i32 to vector<16xi32>
        %max3A_222 = arith.maxsi %gather3A_219, %max3A_221 : vector<16xi32>
        %min3A_223 = arith.constant 4 : i32
        %min3A_224 = vector.broadcast %min3A_223 : i32 to vector<16xi32>
        %min3A_225 = arith.minsi %max3A_222, %min3A_224 : vector<16xi32>
        %gather3A_226 = tpu.vector_load_idx %arg7[%min3A_225] : memref<16xf32, #tpu.memory_space<vmem>>[vector<16xi32>], vector<16xf32>,
        %mul3A_227 = arith.constant 16 : i32
        %mul3A_228 = arith.muli %scan3A_210, %mul3A_227 : i32
        %swap3A_229 = arith.index_cast %mul3A_228 : i32 to index
        %swap3A_230 = tpu.vector_load %arg8[%swap3A_229] {strides = array<i32>} : memref<640xf32, #tpu.memory_space<vmem>>, vector<16xf32>,
        tpu.vector_store %arg8[%swap3A_229], %gather3A_226 {strides = array<i32>} : memref<640xf32, #tpu.memory_space<vmem>>, vector<16xf32>,
        %scan3A_231 = arith.constant 7 : i32
        %scan3A_232 = arith.addi %scan3A_78, %scan3A_231 : i32
        %mul3A_233 = arith.constant 16 : i32
        %mul3A_234 = arith.muli %scan3A_232, %mul3A_233 : i32
        %add3A_235 = arith.addi %mul3A_2, %mul3A_234 : i32
        %add3A_236 = vector.broadcast %add3A_235 : i32 to vector<16xi32>
        %add3A_237 = arith.addi %add3A_236, %iota3A : vector<16xi32>
        %min3A_238 = arith.constant 9999 : i32
        %min3A_239 = vector.broadcast %min3A_238 : i32 to vector<16xi32>
        %min3A_240 = arith.minsi %add3A_237, %min3A_239 : vector<16xi32>
        %gather3A_241 = tpu.vector_load_idx %arg6[%min3A_240] : memref<10000xi32, #tpu.memory_space<vmem>>[vector<16xi32>], vector<16xi32>,
        %max3A_242 = arith.constant 0 : i32
        %max3A_243 = vector.broadcast %max3A_242 : i32 to vector<16xi32>
        %max3A_244 = arith.maxsi %gather3A_241, %max3A_243 : vector<16xi32>
        %min3A_245 = arith.constant 4 : i32
        %min3A_246 = vector.broadcast %min3A_245 : i32 to vector<16xi32>
        %min3A_247 = arith.minsi %max3A_244, %min3A_246 : vector<16xi32>
        %gather3A_248 = tpu.vector_load_idx %arg7[%min3A_247] : memref<16xf32, #tpu.memory_space<vmem>>[vector<16xi32>], vector<16xf32>,
        %mul3A_249 = arith.constant 16 : i32
        %mul3A_250 = arith.muli %scan3A_232, %mul3A_249 : i32
        %swap3A_251 = arith.index_cast %mul3A_250 : i32 to index
        %swap3A_252 = tpu.vector_load %arg8[%swap3A_251] {strides = array<i32>} : memref<640xf32, #tpu.memory_space<vmem>>, vector<16xf32>,
        tpu.vector_store %arg8[%swap3A_251], %gather3A_248 {strides = array<i32>} : memref<640xf32, #tpu.memory_space<vmem>>, vector<16xf32>,
      }
      %scan3A_37 = arith.constant 24 : i32
      %scan3A_38 = arith.addi %scan3A_33, %scan3A_37 : i32
      %mul3A_39 = arith.constant 16 : i32
      %mul3A_40 = arith.muli %scan3A_38, %mul3A_39 : i32
      %add3A_41 = arith.addi %mul3A_2, %mul3A_40 : i32
      %add3A_42 = vector.broadcast %add3A_41 : i32 to vector<16xi32>
      %add3A_43 = arith.addi %add3A_42, %iota3A : vector<16xi32>
      %min3A = arith.constant 9999 : i32
      %min3A_44 = vector.broadcast %min3A : i32 to vector<16xi32>
      %min3A_45 = arith.minsi %add3A_43, %min3A_44 : vector<16xi32>
      %gather3A = tpu.vector_load_idx %arg6[%min3A_45] : memref<10000xi32, #tpu.memory_space<vmem>>[vector<16xi32>], vector<16xi32>,
      %max3A = arith.constant 0 : i32
      %max3A_46 = vector.broadcast %max3A : i32 to vector<16xi32>
      %max3A_47 = arith.maxsi %gather3A, %max3A_46 : vector<16xi32>
      %min3A_48 = arith.constant 4 : i32
      %min3A_49 = vector.broadcast %min3A_48 : i32 to vector<16xi32>
      %min3A_50 = arith.minsi %max3A_47, %min3A_49 : vector<16xi32>
      %gather3A_51 = tpu.vector_load_idx %arg7[%min3A_50] : memref<16xf32, #tpu.memory_space<vmem>>[vector<16xi32>], vector<16xf32>,
      %mul3A_52 = arith.constant 16 : i32
      %mul3A_53 = arith.muli %scan3A_38, %mul3A_52 : i32
      %swap3A = arith.index_cast %mul3A_53 : i32 to index
      %swap3A_54 = tpu.vector_load %arg8[%swap3A] {strides = array<i32>} : memref<640xf32, #tpu.memory_space<vmem>>, vector<16xf32>,
      tpu.vector_store %arg8[%swap3A], %gather3A_51 {strides = array<i32>} : memref<640xf32, #tpu.memory_space<vmem>>, vector<16xf32>,
      %scan3A_55 = arith.constant 25 : i32
      %scan3A_56 = arith.addi %scan3A_33, %scan3A_55 : i32
      %mul3A_57 = arith.constant 16 : i32
      %mul3A_58 = arith.muli %scan3A_56, %mul3A_57 : i32
      %add3A_59 = arith.addi %mul3A_2, %mul3A_58 : i32
      %add3A_60 = vector.broadcast %add3A_59 : i32 to vector<16xi32>
      %add3A_61 = arith.addi %add3A_60, %iota3A : vector<16xi32>
      %min3A_62 = arith.constant 9999 : i32
      %min3A_63 = vector.broadcast %min3A_62 : i32 to vector<16xi32>
      %min3A_64 = arith.minsi %add3A_61, %min3A_63 : vector<16xi32>
      %gather3A_65 = tpu.vector_load_idx %arg6[%min3A_64] : memref<10000xi32, #tpu.memory_space<vmem>>[vector<16xi32>], vector<16xi32>,
      %max3A_66 = arith.constant 0 : i32
      %max3A_67 = vector.broadcast %max3A_66 : i32 to vector<16xi32>
      %max3A_68 = arith.maxsi %gather3A_65, %max3A_67 : vector<16xi32>
      %min3A_69 = arith.constant 4 : i32
      %min3A_70 = vector.broadcast %min3A_69 : i32 to vector<16xi32>
      %min3A_71 = arith.minsi %max3A_68, %min3A_70 : vector<16xi32>
      %gather3A_72 = tpu.vector_load_idx %arg7[%min3A_71] : memref<16xf32, #tpu.memory_space<vmem>>[vector<16xi32>], vector<16xf32>,
      %mul3A_73 = arith.constant 16 : i32
      %mul3A_74 = arith.muli %scan3A_56, %mul3A_73 : i32
      %swap3A_75 = arith.index_cast %mul3A_74 : i32 to index
      %swap3A_76 = tpu.vector_load %arg8[%swap3A_75] {strides = array<i32>} : memref<640xf32, #tpu.memory_space<vmem>>, vector<16xf32>,
      tpu.vector_store %arg8[%swap3A_75], %gather3A_72 {strides = array<i32>} : memref<640xf32, #tpu.memory_space<vmem>>, vector<16xf32>,
      %scan3A_77 = arith.constant 26 : i32
      "tpu.region"() ({
        %run_scoped3A = tpu.sem_alloc : memref<!tpu.dma_semaphore, #tpu.memory_space<semaphore_mem>>
        %dma_start3A = arith.constant 0 : i32
        %dma_start3A_78 = tpu.memref_slice %arg8[%dma_start3A] : memref<640xf32, #tpu.memory_space<vmem>> -> memref<416xf32, #tpu.memory_space<vmem>>
        %dma_start3A_79 = tpu.memref_slice %arg11[%mul3A_2] : memref<10016xf32, #tpu.memory_space<vmem_shared>> -> memref<416xf32, #tpu.memory_space<vmem_shared>>
        %dma_start3A_80 = tpu.memref_slice %arg11[%mul3A_2] : memref<10016xf32, #tpu.memory_space<vmem_shared>> -> memref<416xf32, #tpu.memory_space<vmem_shared>>
        %dma_start3A_81 = arith.constant 0 : i32
        %dma_start3A_82 = tpu.memref_slice %arg8[%dma_start3A_81] : memref<640xf32, #tpu.memory_space<vmem>> -> memref<416xf32, #tpu.memory_space<vmem>>
        tpu.enqueue_dma source(%dma_start3A_82 : memref<416xf32, #tpu.memory_space<vmem>>) target(%dma_start3A_80 : memref<416xf32, #tpu.memory_space<vmem_shared>>) target_semaphore(%run_scoped3A : memref<!tpu.dma_semaphore, #tpu.memory_space<semaphore_mem>>)
        %dma_wait3A = arith.constant 0 : i32
        %dma_wait3A_83 = tpu.memref_slice %arg8[%dma_wait3A] : memref<640xf32, #tpu.memory_space<vmem>> -> memref<416xf32, #tpu.memory_space<vmem>>
        %dma_wait3A_84 = tpu.memref_slice %arg11[%mul3A_2] : memref<10016xf32, #tpu.memory_space<vmem_shared>> -> memref<416xf32, #tpu.memory_space<vmem_shared>>
        %dma_wait3A_85 = tpu.memref_slice %arg11[%mul3A_2] : memref<10016xf32, #tpu.memory_space<vmem_shared>> -> memref<416xf32, #tpu.memory_space<vmem_shared>>
        %dma_wait3A_86 = arith.constant 0 : i32
        %dma_wait3A_87 = tpu.memref_slice %arg8[%dma_wait3A_86] : memref<640xf32, #tpu.memory_space<vmem>> -> memref<416xf32, #tpu.memory_space<vmem>>
        tpu.wait_dma2 semaphore(%run_scoped3A : memref<!tpu.dma_semaphore, #tpu.memory_space<semaphore_mem>>) src(%dma_wait3A_87 : memref<416xf32, #tpu.memory_space<vmem>>) dst(%dma_wait3A_85 : memref<416xf32, #tpu.memory_space<vmem_shared>>)
        tpu.yield
      }) : () -> ()
    } else {
    }
    %barrier3A = arith.constant 0 : index
    tpu.barrier barrier_id(%barrier3A)
    "tpu.region"() ({
      %run_scoped3A = tpu.sem_alloc : memref<!tpu.dma_semaphore, #tpu.memory_space<semaphore_mem>>
      tpu.enqueue_dma source(%arg11 : memref<10016xf32, #tpu.memory_space<vmem_shared>>) target(%arg10 : memref<10016xf32, #tpu.memory_space<vmem>>) target_semaphore(%run_scoped3A : memref<!tpu.dma_semaphore, #tpu.memory_space<semaphore_mem>>)
      tpu.wait_dma2 semaphore(%run_scoped3A : memref<!tpu.dma_semaphore, #tpu.memory_space<semaphore_mem>>) src(%arg11 : memref<10016xf32, #tpu.memory_space<vmem_shared>>) dst(%arg10 : memref<10016xf32, #tpu.memory_space<vmem>>)
      tpu.yield
    }) : () -> ()
    %mul3A_9 = arith.constant 312 : i32
    %mul3A_10 = arith.muli %add3A, %mul3A_9 : i32
    %lt3A_11 = arith.constant 31 : i32
    %lt3A_12 = arith.cmpi slt, %add3A, %lt3A_11 : i32
    %convert_element_type3A_13 = arith.extui %lt3A_12 : i1 to i32
    %cond3A_14 = arith.constant 0 : i32
    %cond3A_15 = arith.cmpi ne, %convert_element_type3A_13, %cond3A_14 : i32
    scf.if %cond3A_15 {
      "tpu.region"() ({
        %run_scoped3A = tpu.sem_alloc : memref<!tpu.dma_semaphore, #tpu.memory_space<semaphore_mem>>
        %dma_start3A = tpu.memref_slice %arg10[%mul3A_10] : memref<10016xf32, #tpu.memory_space<vmem>> -> memref<312xf32, #tpu.memory_space<vmem>>
        %dma_start3A_33 = tpu.memref_slice %arg4[%mul3A_10] : memref<10000xf32, #tpu.memory_space<hbm>> -> memref<312xf32, #tpu.memory_space<hbm>>
        %dma_start3A_34 = tpu.memref_slice %arg4[%mul3A_10] : memref<10000xf32, #tpu.memory_space<hbm>> -> memref<312xf32, #tpu.memory_space<hbm>>
        %dma_start3A_35 = tpu.memref_slice %arg10[%mul3A_10] : memref<10016xf32, #tpu.memory_space<vmem>> -> memref<312xf32, #tpu.memory_space<vmem>>
        tpu.enqueue_dma source(%dma_start3A_35 : memref<312xf32, #tpu.memory_space<vmem>>) target(%dma_start3A_34 : memref<312xf32, #tpu.memory_space<hbm>>) target_semaphore(%run_scoped3A : memref<!tpu.dma_semaphore, #tpu.memory_space<semaphore_mem>>)
        %dma_wait3A = tpu.memref_slice %arg10[%mul3A_10] : memref<10016xf32, #tpu.memory_space<vmem>> -> memref<312xf32, #tpu.memory_space<vmem>>
        %dma_wait3A_36 = tpu.memref_slice %arg4[%mul3A_10] : memref<10000xf32, #tpu.memory_space<hbm>> -> memref<312xf32, #tpu.memory_space<hbm>>
        %dma_wait3A_37 = tpu.memref_slice %arg4[%mul3A_10] : memref<10000xf32, #tpu.memory_space<hbm>> -> memref<312xf32, #tpu.memory_space<hbm>>
        %dma_wait3A_38 = tpu.memref_slice %arg10[%mul3A_10] : memref<10016xf32, #tpu.memory_space<vmem>> -> memref<312xf32, #tpu.memory_space<vmem>>
        tpu.wait_dma2 semaphore(%run_scoped3A : memref<!tpu.dma_semaphore, #tpu.memory_space<semaphore_mem>>) src(%dma_wait3A_38 : memref<312xf32, #tpu.memory_space<vmem>>) dst(%dma_wait3A_37 : memref<312xf32, #tpu.memory_space<hbm>>)
        tpu.yield
      }) : () -> ()
    } else {
    }
    %eq3A_16 = arith.constant 31 : i32
    %eq3A_17 = arith.cmpi eq, %add3A, %eq3A_16 : i32
    %convert_element_type3A_18 = arith.extui %eq3A_17 : i1 to i32
    %cond3A_19 = arith.constant 0 : i32
    %cond3A_20 = arith.cmpi ne, %convert_element_type3A_18, %cond3A_19 : i32
    scf.if %cond3A_20 {
      "tpu.region"() ({
        %run_scoped3A = tpu.sem_alloc : memref<!tpu.dma_semaphore, #tpu.memory_space<semaphore_mem>>
        %dma_start3A = arith.constant 9672 : i32
        %dma_start3A_33 = tpu.memref_slice %arg10[%dma_start3A] : memref<10016xf32, #tpu.memory_space<vmem>> -> memref<328xf32, #tpu.memory_space<vmem>>
        %dma_start3A_34 = arith.constant 9672 : i32
        %dma_start3A_35 = tpu.memref_slice %arg4[%dma_start3A_34] : memref<10000xf32, #tpu.memory_space<hbm>> -> memref<328xf32, #tpu.memory_space<hbm>>
        %dma_start3A_36 = arith.constant 9672 : i32
        %dma_start3A_37 = tpu.memref_slice %arg4[%dma_start3A_36] : memref<10000xf32, #tpu.memory_space<hbm>> -> memref<328xf32, #tpu.memory_space<hbm>>
        %dma_start3A_38 = arith.constant 9672 : i32
        %dma_start3A_39 = tpu.memref_slice %arg10[%dma_start3A_38] : memref<10016xf32, #tpu.memory_space<vmem>> -> memref<328xf32, #tpu.memory_space<vmem>>
        tpu.enqueue_dma source(%dma_start3A_39 : memref<328xf32, #tpu.memory_space<vmem>>) target(%dma_start3A_37 : memref<328xf32, #tpu.memory_space<hbm>>) target_semaphore(%run_scoped3A : memref<!tpu.dma_semaphore, #tpu.memory_space<semaphore_mem>>)
        %dma_wait3A = arith.constant 9672 : i32
        %dma_wait3A_40 = tpu.memref_slice %arg10[%dma_wait3A] : memref<10016xf32, #tpu.memory_space<vmem>> -> memref<328xf32, #tpu.memory_space<vmem>>
        %dma_wait3A_41 = arith.constant 9672 : i32
        %dma_wait3A_42 = tpu.memref_slice %arg4[%dma_wait3A_41] : memref<10000xf32, #tpu.memory_space<hbm>> -> memref<328xf32, #tpu.memory_space<hbm>>
        %dma_wait3A_43 = arith.constant 9672 : i32
        %dma_wait3A_44 = tpu.memref_slice %arg4[%dma_wait3A_43] : memref<10000xf32, #tpu.memory_space<hbm>> -> memref<328xf32, #tpu.memory_space<hbm>>
        %dma_wait3A_45 = arith.constant 9672 : i32
        %dma_wait3A_46 = tpu.memref_slice %arg10[%dma_wait3A_45] : memref<10016xf32, #tpu.memory_space<vmem>> -> memref<328xf32, #tpu.memory_space<vmem>>
        tpu.wait_dma2 semaphore(%run_scoped3A : memref<!tpu.dma_semaphore, #tpu.memory_space<semaphore_mem>>) src(%dma_wait3A_46 : memref<328xf32, #tpu.memory_space<vmem>>) dst(%dma_wait3A_44 : memref<328xf32, #tpu.memory_space<hbm>>)
        tpu.yield
      }) : () -> ()
    } else {
    }
    %mul3A_21 = arith.constant 3136 : i32
    %mul3A_22 = arith.muli %add3A, %mul3A_21 : i32
    %lt3A_23 = arith.constant 31 : i32
    %lt3A_24 = arith.cmpi slt, %add3A, %lt3A_23 : i32
    %convert_element_type3A_25 = arith.extui %lt3A_24 : i1 to i32
    %cond3A_26 = arith.constant 0 : i32
    %cond3A_27 = arith.cmpi ne, %convert_element_type3A_25, %cond3A_26 : i32
    scf.if %cond3A_27 {
      %scan3A = arith.constant 0 : i32
      %scan3A_33 = arith.constant 0 : i32
      %scan3A_34 = arith.constant 192 : i32
      %scan3A_35 = arith.addi %scan3A_33, %scan3A_34 : i32
      %scan3A_36 = arith.constant 8 : i32
      scf.for %scan3A_106 = %scan3A_33 to %scan3A_35 step %scan3A_36  : i32 {
        %mul3A_107 = arith.constant 16 : i32
        %mul3A_108 = arith.muli %scan3A_106, %mul3A_107 : i32
        %add3A_109 = arith.addi %mul3A_22, %mul3A_108 : i32
        %add3A_110 = vector.broadcast %add3A_109 : i32 to vector<16xi32>
        %add3A_111 = arith.addi %add3A_110, %iota3A : vector<16xi32>
        %div3A_112 = arith.constant 10 : i32
        %div3A_113 = vector.broadcast %div3A_112 : i32 to vector<16xi32>
        %div3A_114 = arith.divsi %add3A_111, %div3A_113 : vector<16xi32>
        %min3A_115 = arith.constant 9999 : i32
        %min3A_116 = vector.broadcast %min3A_115 : i32 to vector<16xi32>
        %min3A_117 = arith.minsi %div3A_114, %min3A_116 : vector<16xi32>
        %gather3A_118 = tpu.vector_load_idx %arg10[%min3A_117] : memref<10016xf32, #tpu.memory_space<vmem>>[vector<16xi32>], vector<16xf32>,
        %mul3A_119 = arith.constant 16 : i32
        %mul3A_120 = arith.muli %scan3A_106, %mul3A_119 : i32
        %swap3A_121 = arith.index_cast %mul3A_120 : i32 to index
        %swap3A_122 = tpu.vector_load %arg9[%swap3A_121] {strides = array<i32>} : memref<3136xf32, #tpu.memory_space<vmem>>, vector<16xf32>,
        tpu.vector_store %arg9[%swap3A_121], %gather3A_118 {strides = array<i32>} : memref<3136xf32, #tpu.memory_space<vmem>>, vector<16xf32>,
        %scan3A_123 = arith.constant 1 : i32
        %scan3A_124 = arith.addi %scan3A_106, %scan3A_123 : i32
        %mul3A_125 = arith.constant 16 : i32
        %mul3A_126 = arith.muli %scan3A_124, %mul3A_125 : i32
        %add3A_127 = arith.addi %mul3A_22, %mul3A_126 : i32
        %add3A_128 = vector.broadcast %add3A_127 : i32 to vector<16xi32>
        %add3A_129 = arith.addi %add3A_128, %iota3A : vector<16xi32>
        %div3A_130 = arith.constant 10 : i32
        %div3A_131 = vector.broadcast %div3A_130 : i32 to vector<16xi32>
        %div3A_132 = arith.divsi %add3A_129, %div3A_131 : vector<16xi32>
        %min3A_133 = arith.constant 9999 : i32
        %min3A_134 = vector.broadcast %min3A_133 : i32 to vector<16xi32>
        %min3A_135 = arith.minsi %div3A_132, %min3A_134 : vector<16xi32>
        %gather3A_136 = tpu.vector_load_idx %arg10[%min3A_135] : memref<10016xf32, #tpu.memory_space<vmem>>[vector<16xi32>], vector<16xf32>,
        %mul3A_137 = arith.constant 16 : i32
        %mul3A_138 = arith.muli %scan3A_124, %mul3A_137 : i32
        %swap3A_139 = arith.index_cast %mul3A_138 : i32 to index
        %swap3A_140 = tpu.vector_load %arg9[%swap3A_139] {strides = array<i32>} : memref<3136xf32, #tpu.memory_space<vmem>>, vector<16xf32>,
        tpu.vector_store %arg9[%swap3A_139], %gather3A_136 {strides = array<i32>} : memref<3136xf32, #tpu.memory_space<vmem>>, vector<16xf32>,
        %scan3A_141 = arith.constant 2 : i32
        %scan3A_142 = arith.addi %scan3A_106, %scan3A_141 : i32
        %mul3A_143 = arith.constant 16 : i32
        %mul3A_144 = arith.muli %scan3A_142, %mul3A_143 : i32
        %add3A_145 = arith.addi %mul3A_22, %mul3A_144 : i32
        %add3A_146 = vector.broadcast %add3A_145 : i32 to vector<16xi32>
        %add3A_147 = arith.addi %add3A_146, %iota3A : vector<16xi32>
        %div3A_148 = arith.constant 10 : i32
        %div3A_149 = vector.broadcast %div3A_148 : i32 to vector<16xi32>
        %div3A_150 = arith.divsi %add3A_147, %div3A_149 : vector<16xi32>
        %min3A_151 = arith.constant 9999 : i32
        %min3A_152 = vector.broadcast %min3A_151 : i32 to vector<16xi32>
        %min3A_153 = arith.minsi %div3A_150, %min3A_152 : vector<16xi32>
        %gather3A_154 = tpu.vector_load_idx %arg10[%min3A_153] : memref<10016xf32, #tpu.memory_space<vmem>>[vector<16xi32>], vector<16xf32>,
        %mul3A_155 = arith.constant 16 : i32
        %mul3A_156 = arith.muli %scan3A_142, %mul3A_155 : i32
        %swap3A_157 = arith.index_cast %mul3A_156 : i32 to index
        %swap3A_158 = tpu.vector_load %arg9[%swap3A_157] {strides = array<i32>} : memref<3136xf32, #tpu.memory_space<vmem>>, vector<16xf32>,
        tpu.vector_store %arg9[%swap3A_157], %gather3A_154 {strides = array<i32>} : memref<3136xf32, #tpu.memory_space<vmem>>, vector<16xf32>,
        %scan3A_159 = arith.constant 3 : i32
        %scan3A_160 = arith.addi %scan3A_106, %scan3A_159 : i32
        %mul3A_161 = arith.constant 16 : i32
        %mul3A_162 = arith.muli %scan3A_160, %mul3A_161 : i32
        %add3A_163 = arith.addi %mul3A_22, %mul3A_162 : i32
        %add3A_164 = vector.broadcast %add3A_163 : i32 to vector<16xi32>
        %add3A_165 = arith.addi %add3A_164, %iota3A : vector<16xi32>
        %div3A_166 = arith.constant 10 : i32
        %div3A_167 = vector.broadcast %div3A_166 : i32 to vector<16xi32>
        %div3A_168 = arith.divsi %add3A_165, %div3A_167 : vector<16xi32>
        %min3A_169 = arith.constant 9999 : i32
        %min3A_170 = vector.broadcast %min3A_169 : i32 to vector<16xi32>
        %min3A_171 = arith.minsi %div3A_168, %min3A_170 : vector<16xi32>
        %gather3A_172 = tpu.vector_load_idx %arg10[%min3A_171] : memref<10016xf32, #tpu.memory_space<vmem>>[vector<16xi32>], vector<16xf32>,
        %mul3A_173 = arith.constant 16 : i32
        %mul3A_174 = arith.muli %scan3A_160, %mul3A_173 : i32
        %swap3A_175 = arith.index_cast %mul3A_174 : i32 to index
        %swap3A_176 = tpu.vector_load %arg9[%swap3A_175] {strides = array<i32>} : memref<3136xf32, #tpu.memory_space<vmem>>, vector<16xf32>,
        tpu.vector_store %arg9[%swap3A_175], %gather3A_172 {strides = array<i32>} : memref<3136xf32, #tpu.memory_space<vmem>>, vector<16xf32>,
        %scan3A_177 = arith.constant 4 : i32
        %scan3A_178 = arith.addi %scan3A_106, %scan3A_177 : i32
        %mul3A_179 = arith.constant 16 : i32
        %mul3A_180 = arith.muli %scan3A_178, %mul3A_179 : i32
        %add3A_181 = arith.addi %mul3A_22, %mul3A_180 : i32
        %add3A_182 = vector.broadcast %add3A_181 : i32 to vector<16xi32>
        %add3A_183 = arith.addi %add3A_182, %iota3A : vector<16xi32>
        %div3A_184 = arith.constant 10 : i32
        %div3A_185 = vector.broadcast %div3A_184 : i32 to vector<16xi32>
        %div3A_186 = arith.divsi %add3A_183, %div3A_185 : vector<16xi32>
        %min3A_187 = arith.constant 9999 : i32
        %min3A_188 = vector.broadcast %min3A_187 : i32 to vector<16xi32>
        %min3A_189 = arith.minsi %div3A_186, %min3A_188 : vector<16xi32>
        %gather3A_190 = tpu.vector_load_idx %arg10[%min3A_189] : memref<10016xf32, #tpu.memory_space<vmem>>[vector<16xi32>], vector<16xf32>,
        %mul3A_191 = arith.constant 16 : i32
        %mul3A_192 = arith.muli %scan3A_178, %mul3A_191 : i32
        %swap3A_193 = arith.index_cast %mul3A_192 : i32 to index
        %swap3A_194 = tpu.vector_load %arg9[%swap3A_193] {strides = array<i32>} : memref<3136xf32, #tpu.memory_space<vmem>>, vector<16xf32>,
        tpu.vector_store %arg9[%swap3A_193], %gather3A_190 {strides = array<i32>} : memref<3136xf32, #tpu.memory_space<vmem>>, vector<16xf32>,
        %scan3A_195 = arith.constant 5 : i32
        %scan3A_196 = arith.addi %scan3A_106, %scan3A_195 : i32
        %mul3A_197 = arith.constant 16 : i32
        %mul3A_198 = arith.muli %scan3A_196, %mul3A_197 : i32
        %add3A_199 = arith.addi %mul3A_22, %mul3A_198 : i32
        %add3A_200 = vector.broadcast %add3A_199 : i32 to vector<16xi32>
        %add3A_201 = arith.addi %add3A_200, %iota3A : vector<16xi32>
        %div3A_202 = arith.constant 10 : i32
        %div3A_203 = vector.broadcast %div3A_202 : i32 to vector<16xi32>
        %div3A_204 = arith.divsi %add3A_201, %div3A_203 : vector<16xi32>
        %min3A_205 = arith.constant 9999 : i32
        %min3A_206 = vector.broadcast %min3A_205 : i32 to vector<16xi32>
        %min3A_207 = arith.minsi %div3A_204, %min3A_206 : vector<16xi32>
        %gather3A_208 = tpu.vector_load_idx %arg10[%min3A_207] : memref<10016xf32, #tpu.memory_space<vmem>>[vector<16xi32>], vector<16xf32>,
        %mul3A_209 = arith.constant 16 : i32
        %mul3A_210 = arith.muli %scan3A_196, %mul3A_209 : i32
        %swap3A_211 = arith.index_cast %mul3A_210 : i32 to index
        %swap3A_212 = tpu.vector_load %arg9[%swap3A_211] {strides = array<i32>} : memref<3136xf32, #tpu.memory_space<vmem>>, vector<16xf32>,
        tpu.vector_store %arg9[%swap3A_211], %gather3A_208 {strides = array<i32>} : memref<3136xf32, #tpu.memory_space<vmem>>, vector<16xf32>,
        %scan3A_213 = arith.constant 6 : i32
        %scan3A_214 = arith.addi %scan3A_106, %scan3A_213 : i32
        %mul3A_215 = arith.constant 16 : i32
        %mul3A_216 = arith.muli %scan3A_214, %mul3A_215 : i32
        %add3A_217 = arith.addi %mul3A_22, %mul3A_216 : i32
        %add3A_218 = vector.broadcast %add3A_217 : i32 to vector<16xi32>
        %add3A_219 = arith.addi %add3A_218, %iota3A : vector<16xi32>
        %div3A_220 = arith.constant 10 : i32
        %div3A_221 = vector.broadcast %div3A_220 : i32 to vector<16xi32>
        %div3A_222 = arith.divsi %add3A_219, %div3A_221 : vector<16xi32>
        %min3A_223 = arith.constant 9999 : i32
        %min3A_224 = vector.broadcast %min3A_223 : i32 to vector<16xi32>
        %min3A_225 = arith.minsi %div3A_222, %min3A_224 : vector<16xi32>
        %gather3A_226 = tpu.vector_load_idx %arg10[%min3A_225] : memref<10016xf32, #tpu.memory_space<vmem>>[vector<16xi32>], vector<16xf32>,
        %mul3A_227 = arith.constant 16 : i32
        %mul3A_228 = arith.muli %scan3A_214, %mul3A_227 : i32
        %swap3A_229 = arith.index_cast %mul3A_228 : i32 to index
        %swap3A_230 = tpu.vector_load %arg9[%swap3A_229] {strides = array<i32>} : memref<3136xf32, #tpu.memory_space<vmem>>, vector<16xf32>,
        tpu.vector_store %arg9[%swap3A_229], %gather3A_226 {strides = array<i32>} : memref<3136xf32, #tpu.memory_space<vmem>>, vector<16xf32>,
        %scan3A_231 = arith.constant 7 : i32
        %scan3A_232 = arith.addi %scan3A_106, %scan3A_231 : i32
        %mul3A_233 = arith.constant 16 : i32
        %mul3A_234 = arith.muli %scan3A_232, %mul3A_233 : i32
        %add3A_235 = arith.addi %mul3A_22, %mul3A_234 : i32
        %add3A_236 = vector.broadcast %add3A_235 : i32 to vector<16xi32>
        %add3A_237 = arith.addi %add3A_236, %iota3A : vector<16xi32>
        %div3A_238 = arith.constant 10 : i32
        %div3A_239 = vector.broadcast %div3A_238 : i32 to vector<16xi32>
        %div3A_240 = arith.divsi %add3A_237, %div3A_239 : vector<16xi32>
        %min3A_241 = arith.constant 9999 : i32
        %min3A_242 = vector.broadcast %min3A_241 : i32 to vector<16xi32>
        %min3A_243 = arith.minsi %div3A_240, %min3A_242 : vector<16xi32>
        %gather3A_244 = tpu.vector_load_idx %arg10[%min3A_243] : memref<10016xf32, #tpu.memory_space<vmem>>[vector<16xi32>], vector<16xf32>,
        %mul3A_245 = arith.constant 16 : i32
        %mul3A_246 = arith.muli %scan3A_232, %mul3A_245 : i32
        %swap3A_247 = arith.index_cast %mul3A_246 : i32 to index
        %swap3A_248 = tpu.vector_load %arg9[%swap3A_247] {strides = array<i32>} : memref<3136xf32, #tpu.memory_space<vmem>>, vector<16xf32>,
        tpu.vector_store %arg9[%swap3A_247], %gather3A_244 {strides = array<i32>} : memref<3136xf32, #tpu.memory_space<vmem>>, vector<16xf32>,
      }
      %scan3A_37 = arith.constant 192 : i32
      %scan3A_38 = arith.addi %scan3A_33, %scan3A_37 : i32
      %mul3A_39 = arith.constant 16 : i32
      %mul3A_40 = arith.muli %scan3A_38, %mul3A_39 : i32
      %add3A_41 = arith.addi %mul3A_22, %mul3A_40 : i32
      %add3A_42 = vector.broadcast %add3A_41 : i32 to vector<16xi32>
      %add3A_43 = arith.addi %add3A_42, %iota3A : vector<16xi32>
      %div3A = arith.constant 10 : i32
      %div3A_44 = vector.broadcast %div3A : i32 to vector<16xi32>
      %div3A_45 = arith.divsi %add3A_43, %div3A_44 : vector<16xi32>
      %min3A = arith.constant 9999 : i32
      %min3A_46 = vector.broadcast %min3A : i32 to vector<16xi32>
      %min3A_47 = arith.minsi %div3A_45, %min3A_46 : vector<16xi32>
      %gather3A = tpu.vector_load_idx %arg10[%min3A_47] : memref<10016xf32, #tpu.memory_space<vmem>>[vector<16xi32>], vector<16xf32>,
      %mul3A_48 = arith.constant 16 : i32
      %mul3A_49 = arith.muli %scan3A_38, %mul3A_48 : i32
      %swap3A = arith.index_cast %mul3A_49 : i32 to index
      %swap3A_50 = tpu.vector_load %arg9[%swap3A] {strides = array<i32>} : memref<3136xf32, #tpu.memory_space<vmem>>, vector<16xf32>,
      tpu.vector_store %arg9[%swap3A], %gather3A {strides = array<i32>} : memref<3136xf32, #tpu.memory_space<vmem>>, vector<16xf32>,
      %scan3A_51 = arith.constant 193 : i32
      %scan3A_52 = arith.addi %scan3A_33, %scan3A_51 : i32
      %mul3A_53 = arith.constant 16 : i32
      %mul3A_54 = arith.muli %scan3A_52, %mul3A_53 : i32
      %add3A_55 = arith.addi %mul3A_22, %mul3A_54 : i32
      %add3A_56 = vector.broadcast %add3A_55 : i32 to vector<16xi32>
      %add3A_57 = arith.addi %add3A_56, %iota3A : vector<16xi32>
      %div3A_58 = arith.constant 10 : i32
      %div3A_59 = vector.broadcast %div3A_58 : i32 to vector<16xi32>
      %div3A_60 = arith.divsi %add3A_57, %div3A_59 : vector<16xi32>
      %min3A_61 = arith.constant 9999 : i32
      %min3A_62 = vector.broadcast %min3A_61 : i32 to vector<16xi32>
      %min3A_63 = arith.minsi %div3A_60, %min3A_62 : vector<16xi32>
      %gather3A_64 = tpu.vector_load_idx %arg10[%min3A_63] : memref<10016xf32, #tpu.memory_space<vmem>>[vector<16xi32>], vector<16xf32>,
      %mul3A_65 = arith.constant 16 : i32
      %mul3A_66 = arith.muli %scan3A_52, %mul3A_65 : i32
      %swap3A_67 = arith.index_cast %mul3A_66 : i32 to index
      %swap3A_68 = tpu.vector_load %arg9[%swap3A_67] {strides = array<i32>} : memref<3136xf32, #tpu.memory_space<vmem>>, vector<16xf32>,
      tpu.vector_store %arg9[%swap3A_67], %gather3A_64 {strides = array<i32>} : memref<3136xf32, #tpu.memory_space<vmem>>, vector<16xf32>,
      %scan3A_69 = arith.constant 194 : i32
      %scan3A_70 = arith.addi %scan3A_33, %scan3A_69 : i32
      %mul3A_71 = arith.constant 16 : i32
      %mul3A_72 = arith.muli %scan3A_70, %mul3A_71 : i32
      %add3A_73 = arith.addi %mul3A_22, %mul3A_72 : i32
      %add3A_74 = vector.broadcast %add3A_73 : i32 to vector<16xi32>
      %add3A_75 = arith.addi %add3A_74, %iota3A : vector<16xi32>
      %div3A_76 = arith.constant 10 : i32
      %div3A_77 = vector.broadcast %div3A_76 : i32 to vector<16xi32>
      %div3A_78 = arith.divsi %add3A_75, %div3A_77 : vector<16xi32>
      %min3A_79 = arith.constant 9999 : i32
      %min3A_80 = vector.broadcast %min3A_79 : i32 to vector<16xi32>
      %min3A_81 = arith.minsi %div3A_78, %min3A_80 : vector<16xi32>
      %gather3A_82 = tpu.vector_load_idx %arg10[%min3A_81] : memref<10016xf32, #tpu.memory_space<vmem>>[vector<16xi32>], vector<16xf32>,
      %mul3A_83 = arith.constant 16 : i32
      %mul3A_84 = arith.muli %scan3A_70, %mul3A_83 : i32
      %swap3A_85 = arith.index_cast %mul3A_84 : i32 to index
      %swap3A_86 = tpu.vector_load %arg9[%swap3A_85] {strides = array<i32>} : memref<3136xf32, #tpu.memory_space<vmem>>, vector<16xf32>,
      tpu.vector_store %arg9[%swap3A_85], %gather3A_82 {strides = array<i32>} : memref<3136xf32, #tpu.memory_space<vmem>>, vector<16xf32>,
      %scan3A_87 = arith.constant 195 : i32
      %scan3A_88 = arith.addi %scan3A_33, %scan3A_87 : i32
      %mul3A_89 = arith.constant 16 : i32
      %mul3A_90 = arith.muli %scan3A_88, %mul3A_89 : i32
      %add3A_91 = arith.addi %mul3A_22, %mul3A_90 : i32
      %add3A_92 = vector.broadcast %add3A_91 : i32 to vector<16xi32>
      %add3A_93 = arith.addi %add3A_92, %iota3A : vector<16xi32>
      %div3A_94 = arith.constant 10 : i32
      %div3A_95 = vector.broadcast %div3A_94 : i32 to vector<16xi32>
      %div3A_96 = arith.divsi %add3A_93, %div3A_95 : vector<16xi32>
      %min3A_97 = arith.constant 9999 : i32
      %min3A_98 = vector.broadcast %min3A_97 : i32 to vector<16xi32>
      %min3A_99 = arith.minsi %div3A_96, %min3A_98 : vector<16xi32>
      %gather3A_100 = tpu.vector_load_idx %arg10[%min3A_99] : memref<10016xf32, #tpu.memory_space<vmem>>[vector<16xi32>], vector<16xf32>,
      %mul3A_101 = arith.constant 16 : i32
      %mul3A_102 = arith.muli %scan3A_88, %mul3A_101 : i32
      %swap3A_103 = arith.index_cast %mul3A_102 : i32 to index
      %swap3A_104 = tpu.vector_load %arg9[%swap3A_103] {strides = array<i32>} : memref<3136xf32, #tpu.memory_space<vmem>>, vector<16xf32>,
      tpu.vector_store %arg9[%swap3A_103], %gather3A_100 {strides = array<i32>} : memref<3136xf32, #tpu.memory_space<vmem>>, vector<16xf32>,
      %scan3A_105 = arith.constant 196 : i32
      "tpu.region"() ({
        %run_scoped3A = tpu.sem_alloc : memref<!tpu.dma_semaphore, #tpu.memory_space<semaphore_mem>>
        %dma_start3A = arith.constant 0 : i32
        %dma_start3A_106 = tpu.memref_slice %arg9[%dma_start3A] : memref<3136xf32, #tpu.memory_space<vmem>> -> memref<3136xf32, #tpu.memory_space<vmem>>
        %dma_start3A_107 = tpu.memref_slice %arg5[%mul3A_22] : memref<100000xf32, #tpu.memory_space<hbm>> -> memref<3136xf32, #tpu.memory_space<hbm>>
        %dma_start3A_108 = tpu.memref_slice %arg5[%mul3A_22] : memref<100000xf32, #tpu.memory_space<hbm>> -> memref<3136xf32, #tpu.memory_space<hbm>>
        %dma_start3A_109 = arith.constant 0 : i32
        %dma_start3A_110 = tpu.memref_slice %arg9[%dma_start3A_109] : memref<3136xf32, #tpu.memory_space<vmem>> -> memref<3136xf32, #tpu.memory_space<vmem>>
        tpu.enqueue_dma source(%dma_start3A_110 : memref<3136xf32, #tpu.memory_space<vmem>>) target(%dma_start3A_108 : memref<3136xf32, #tpu.memory_space<hbm>>) target_semaphore(%run_scoped3A : memref<!tpu.dma_semaphore, #tpu.memory_space<semaphore_mem>>)
        %dma_wait3A = arith.constant 0 : i32
        %dma_wait3A_111 = tpu.memref_slice %arg9[%dma_wait3A] : memref<3136xf32, #tpu.memory_space<vmem>> -> memref<3136xf32, #tpu.memory_space<vmem>>
        %dma_wait3A_112 = tpu.memref_slice %arg5[%mul3A_22] : memref<100000xf32, #tpu.memory_space<hbm>> -> memref<3136xf32, #tpu.memory_space<hbm>>
        %dma_wait3A_113 = tpu.memref_slice %arg5[%mul3A_22] : memref<100000xf32, #tpu.memory_space<hbm>> -> memref<3136xf32, #tpu.memory_space<hbm>>
        %dma_wait3A_114 = arith.constant 0 : i32
        %dma_wait3A_115 = tpu.memref_slice %arg9[%dma_wait3A_114] : memref<3136xf32, #tpu.memory_space<vmem>> -> memref<3136xf32, #tpu.memory_space<vmem>>
        tpu.wait_dma2 semaphore(%run_scoped3A : memref<!tpu.dma_semaphore, #tpu.memory_space<semaphore_mem>>) src(%dma_wait3A_115 : memref<3136xf32, #tpu.memory_space<vmem>>) dst(%dma_wait3A_113 : memref<3136xf32, #tpu.memory_space<hbm>>)
        tpu.yield
      }) : () -> ()
    } else {
    }
    %eq3A_28 = arith.constant 31 : i32
    %eq3A_29 = arith.cmpi eq, %add3A, %eq3A_28 : i32
    %convert_element_type3A_30 = arith.extui %eq3A_29 : i1 to i32
    %cond3A_31 = arith.constant 0 : i32
    %cond3A_32 = arith.cmpi ne, %convert_element_type3A_30, %cond3A_31 : i32
    scf.if %cond3A_32 {
      %scan3A = arith.constant 0 : i32
      %scan3A_33 = arith.constant 0 : i32
      %scan3A_34 = arith.constant 168 : i32
      %scan3A_35 = arith.addi %scan3A_33, %scan3A_34 : i32
      %scan3A_36 = arith.constant 8 : i32
      scf.for %scan3A_142 = %scan3A_33 to %scan3A_35 step %scan3A_36  : i32 {
        %mul3A_143 = arith.constant 16 : i32
        %mul3A_144 = arith.muli %scan3A_142, %mul3A_143 : i32
        %add3A_145 = arith.addi %mul3A_22, %mul3A_144 : i32
        %add3A_146 = vector.broadcast %add3A_145 : i32 to vector<16xi32>
        %add3A_147 = arith.addi %add3A_146, %iota3A : vector<16xi32>
        %div3A_148 = arith.constant 10 : i32
        %div3A_149 = vector.broadcast %div3A_148 : i32 to vector<16xi32>
        %div3A_150 = arith.divsi %add3A_147, %div3A_149 : vector<16xi32>
        %min3A_151 = arith.constant 9999 : i32
        %min3A_152 = vector.broadcast %min3A_151 : i32 to vector<16xi32>
        %min3A_153 = arith.minsi %div3A_150, %min3A_152 : vector<16xi32>
        %gather3A_154 = tpu.vector_load_idx %arg10[%min3A_153] : memref<10016xf32, #tpu.memory_space<vmem>>[vector<16xi32>], vector<16xf32>,
        %mul3A_155 = arith.constant 16 : i32
        %mul3A_156 = arith.muli %scan3A_142, %mul3A_155 : i32
        %swap3A_157 = arith.index_cast %mul3A_156 : i32 to index
        %swap3A_158 = tpu.vector_load %arg9[%swap3A_157] {strides = array<i32>} : memref<3136xf32, #tpu.memory_space<vmem>>, vector<16xf32>,
        tpu.vector_store %arg9[%swap3A_157], %gather3A_154 {strides = array<i32>} : memref<3136xf32, #tpu.memory_space<vmem>>, vector<16xf32>,
        %scan3A_159 = arith.constant 1 : i32
        %scan3A_160 = arith.addi %scan3A_142, %scan3A_159 : i32
        %mul3A_161 = arith.constant 16 : i32
        %mul3A_162 = arith.muli %scan3A_160, %mul3A_161 : i32
        %add3A_163 = arith.addi %mul3A_22, %mul3A_162 : i32
        %add3A_164 = vector.broadcast %add3A_163 : i32 to vector<16xi32>
        %add3A_165 = arith.addi %add3A_164, %iota3A : vector<16xi32>
        %div3A_166 = arith.constant 10 : i32
        %div3A_167 = vector.broadcast %div3A_166 : i32 to vector<16xi32>
        %div3A_168 = arith.divsi %add3A_165, %div3A_167 : vector<16xi32>
        %min3A_169 = arith.constant 9999 : i32
        %min3A_170 = vector.broadcast %min3A_169 : i32 to vector<16xi32>
        %min3A_171 = arith.minsi %div3A_168, %min3A_170 : vector<16xi32>
        %gather3A_172 = tpu.vector_load_idx %arg10[%min3A_171] : memref<10016xf32, #tpu.memory_space<vmem>>[vector<16xi32>], vector<16xf32>,
        %mul3A_173 = arith.constant 16 : i32
        %mul3A_174 = arith.muli %scan3A_160, %mul3A_173 : i32
        %swap3A_175 = arith.index_cast %mul3A_174 : i32 to index
        %swap3A_176 = tpu.vector_load %arg9[%swap3A_175] {strides = array<i32>} : memref<3136xf32, #tpu.memory_space<vmem>>, vector<16xf32>,
        tpu.vector_store %arg9[%swap3A_175], %gather3A_172 {strides = array<i32>} : memref<3136xf32, #tpu.memory_space<vmem>>, vector<16xf32>,
        %scan3A_177 = arith.constant 2 : i32
        %scan3A_178 = arith.addi %scan3A_142, %scan3A_177 : i32
        %mul3A_179 = arith.constant 16 : i32
        %mul3A_180 = arith.muli %scan3A_178, %mul3A_179 : i32
        %add3A_181 = arith.addi %mul3A_22, %mul3A_180 : i32
        %add3A_182 = vector.broadcast %add3A_181 : i32 to vector<16xi32>
        %add3A_183 = arith.addi %add3A_182, %iota3A : vector<16xi32>
        %div3A_184 = arith.constant 10 : i32
        %div3A_185 = vector.broadcast %div3A_184 : i32 to vector<16xi32>
        %div3A_186 = arith.divsi %add3A_183, %div3A_185 : vector<16xi32>
        %min3A_187 = arith.constant 9999 : i32
        %min3A_188 = vector.broadcast %min3A_187 : i32 to vector<16xi32>
        %min3A_189 = arith.minsi %div3A_186, %min3A_188 : vector<16xi32>
        %gather3A_190 = tpu.vector_load_idx %arg10[%min3A_189] : memref<10016xf32, #tpu.memory_space<vmem>>[vector<16xi32>], vector<16xf32>,
        %mul3A_191 = arith.constant 16 : i32
        %mul3A_192 = arith.muli %scan3A_178, %mul3A_191 : i32
        %swap3A_193 = arith.index_cast %mul3A_192 : i32 to index
        %swap3A_194 = tpu.vector_load %arg9[%swap3A_193] {strides = array<i32>} : memref<3136xf32, #tpu.memory_space<vmem>>, vector<16xf32>,
        tpu.vector_store %arg9[%swap3A_193], %gather3A_190 {strides = array<i32>} : memref<3136xf32, #tpu.memory_space<vmem>>, vector<16xf32>,
        %scan3A_195 = arith.constant 3 : i32
        %scan3A_196 = arith.addi %scan3A_142, %scan3A_195 : i32
        %mul3A_197 = arith.constant 16 : i32
        %mul3A_198 = arith.muli %scan3A_196, %mul3A_197 : i32
        %add3A_199 = arith.addi %mul3A_22, %mul3A_198 : i32
        %add3A_200 = vector.broadcast %add3A_199 : i32 to vector<16xi32>
        %add3A_201 = arith.addi %add3A_200, %iota3A : vector<16xi32>
        %div3A_202 = arith.constant 10 : i32
        %div3A_203 = vector.broadcast %div3A_202 : i32 to vector<16xi32>
        %div3A_204 = arith.divsi %add3A_201, %div3A_203 : vector<16xi32>
        %min3A_205 = arith.constant 9999 : i32
        %min3A_206 = vector.broadcast %min3A_205 : i32 to vector<16xi32>
        %min3A_207 = arith.minsi %div3A_204, %min3A_206 : vector<16xi32>
        %gather3A_208 = tpu.vector_load_idx %arg10[%min3A_207] : memref<10016xf32, #tpu.memory_space<vmem>>[vector<16xi32>], vector<16xf32>,
        %mul3A_209 = arith.constant 16 : i32
        %mul3A_210 = arith.muli %scan3A_196, %mul3A_209 : i32
        %swap3A_211 = arith.index_cast %mul3A_210 : i32 to index
        %swap3A_212 = tpu.vector_load %arg9[%swap3A_211] {strides = array<i32>} : memref<3136xf32, #tpu.memory_space<vmem>>, vector<16xf32>,
        tpu.vector_store %arg9[%swap3A_211], %gather3A_208 {strides = array<i32>} : memref<3136xf32, #tpu.memory_space<vmem>>, vector<16xf32>,
        %scan3A_213 = arith.constant 4 : i32
        %scan3A_214 = arith.addi %scan3A_142, %scan3A_213 : i32
        %mul3A_215 = arith.constant 16 : i32
        %mul3A_216 = arith.muli %scan3A_214, %mul3A_215 : i32
        %add3A_217 = arith.addi %mul3A_22, %mul3A_216 : i32
        %add3A_218 = vector.broadcast %add3A_217 : i32 to vector<16xi32>
        %add3A_219 = arith.addi %add3A_218, %iota3A : vector<16xi32>
        %div3A_220 = arith.constant 10 : i32
        %div3A_221 = vector.broadcast %div3A_220 : i32 to vector<16xi32>
        %div3A_222 = arith.divsi %add3A_219, %div3A_221 : vector<16xi32>
        %min3A_223 = arith.constant 9999 : i32
        %min3A_224 = vector.broadcast %min3A_223 : i32 to vector<16xi32>
        %min3A_225 = arith.minsi %div3A_222, %min3A_224 : vector<16xi32>
        %gather3A_226 = tpu.vector_load_idx %arg10[%min3A_225] : memref<10016xf32, #tpu.memory_space<vmem>>[vector<16xi32>], vector<16xf32>,
        %mul3A_227 = arith.constant 16 : i32
        %mul3A_228 = arith.muli %scan3A_214, %mul3A_227 : i32
        %swap3A_229 = arith.index_cast %mul3A_228 : i32 to index
        %swap3A_230 = tpu.vector_load %arg9[%swap3A_229] {strides = array<i32>} : memref<3136xf32, #tpu.memory_space<vmem>>, vector<16xf32>,
        tpu.vector_store %arg9[%swap3A_229], %gather3A_226 {strides = array<i32>} : memref<3136xf32, #tpu.memory_space<vmem>>, vector<16xf32>,
        %scan3A_231 = arith.constant 5 : i32
        %scan3A_232 = arith.addi %scan3A_142, %scan3A_231 : i32
        %mul3A_233 = arith.constant 16 : i32
        %mul3A_234 = arith.muli %scan3A_232, %mul3A_233 : i32
        %add3A_235 = arith.addi %mul3A_22, %mul3A_234 : i32
        %add3A_236 = vector.broadcast %add3A_235 : i32 to vector<16xi32>
        %add3A_237 = arith.addi %add3A_236, %iota3A : vector<16xi32>
        %div3A_238 = arith.constant 10 : i32
        %div3A_239 = vector.broadcast %div3A_238 : i32 to vector<16xi32>
        %div3A_240 = arith.divsi %add3A_237, %div3A_239 : vector<16xi32>
        %min3A_241 = arith.constant 9999 : i32
        %min3A_242 = vector.broadcast %min3A_241 : i32 to vector<16xi32>
        %min3A_243 = arith.minsi %div3A_240, %min3A_242 : vector<16xi32>
        %gather3A_244 = tpu.vector_load_idx %arg10[%min3A_243] : memref<10016xf32, #tpu.memory_space<vmem>>[vector<16xi32>], vector<16xf32>,
        %mul3A_245 = arith.constant 16 : i32
        %mul3A_246 = arith.muli %scan3A_232, %mul3A_245 : i32
        %swap3A_247 = arith.index_cast %mul3A_246 : i32 to index
        %swap3A_248 = tpu.vector_load %arg9[%swap3A_247] {strides = array<i32>} : memref<3136xf32, #tpu.memory_space<vmem>>, vector<16xf32>,
        tpu.vector_store %arg9[%swap3A_247], %gather3A_244 {strides = array<i32>} : memref<3136xf32, #tpu.memory_space<vmem>>, vector<16xf32>,
        %scan3A_249 = arith.constant 6 : i32
        %scan3A_250 = arith.addi %scan3A_142, %scan3A_249 : i32
        %mul3A_251 = arith.constant 16 : i32
        %mul3A_252 = arith.muli %scan3A_250, %mul3A_251 : i32
        %add3A_253 = arith.addi %mul3A_22, %mul3A_252 : i32
        %add3A_254 = vector.broadcast %add3A_253 : i32 to vector<16xi32>
        %add3A_255 = arith.addi %add3A_254, %iota3A : vector<16xi32>
        %div3A_256 = arith.constant 10 : i32
        %div3A_257 = vector.broadcast %div3A_256 : i32 to vector<16xi32>
        %div3A_258 = arith.divsi %add3A_255, %div3A_257 : vector<16xi32>
        %min3A_259 = arith.constant 9999 : i32
        %min3A_260 = vector.broadcast %min3A_259 : i32 to vector<16xi32>
        %min3A_261 = arith.minsi %div3A_258, %min3A_260 : vector<16xi32>
        %gather3A_262 = tpu.vector_load_idx %arg10[%min3A_261] : memref<10016xf32, #tpu.memory_space<vmem>>[vector<16xi32>], vector<16xf32>,
        %mul3A_263 = arith.constant 16 : i32
        %mul3A_264 = arith.muli %scan3A_250, %mul3A_263 : i32
        %swap3A_265 = arith.index_cast %mul3A_264 : i32 to index
        %swap3A_266 = tpu.vector_load %arg9[%swap3A_265] {strides = array<i32>} : memref<3136xf32, #tpu.memory_space<vmem>>, vector<16xf32>,
        tpu.vector_store %arg9[%swap3A_265], %gather3A_262 {strides = array<i32>} : memref<3136xf32, #tpu.memory_space<vmem>>, vector<16xf32>,
        %scan3A_267 = arith.constant 7 : i32
        %scan3A_268 = arith.addi %scan3A_142, %scan3A_267 : i32
        %mul3A_269 = arith.constant 16 : i32
        %mul3A_270 = arith.muli %scan3A_268, %mul3A_269 : i32
        %add3A_271 = arith.addi %mul3A_22, %mul3A_270 : i32
        %add3A_272 = vector.broadcast %add3A_271 : i32 to vector<16xi32>
        %add3A_273 = arith.addi %add3A_272, %iota3A : vector<16xi32>
        %div3A_274 = arith.constant 10 : i32
        %div3A_275 = vector.broadcast %div3A_274 : i32 to vector<16xi32>
        %div3A_276 = arith.divsi %add3A_273, %div3A_275 : vector<16xi32>
        %min3A_277 = arith.constant 9999 : i32
        %min3A_278 = vector.broadcast %min3A_277 : i32 to vector<16xi32>
        %min3A_279 = arith.minsi %div3A_276, %min3A_278 : vector<16xi32>
        %gather3A_280 = tpu.vector_load_idx %arg10[%min3A_279] : memref<10016xf32, #tpu.memory_space<vmem>>[vector<16xi32>], vector<16xf32>,
        %mul3A_281 = arith.constant 16 : i32
        %mul3A_282 = arith.muli %scan3A_268, %mul3A_281 : i32
        %swap3A_283 = arith.index_cast %mul3A_282 : i32 to index
        %swap3A_284 = tpu.vector_load %arg9[%swap3A_283] {strides = array<i32>} : memref<3136xf32, #tpu.memory_space<vmem>>, vector<16xf32>,
        tpu.vector_store %arg9[%swap3A_283], %gather3A_280 {strides = array<i32>} : memref<3136xf32, #tpu.memory_space<vmem>>, vector<16xf32>,
      }
      %scan3A_37 = arith.constant 168 : i32
      %scan3A_38 = arith.addi %scan3A_33, %scan3A_37 : i32
      %mul3A_39 = arith.constant 16 : i32
      %mul3A_40 = arith.muli %scan3A_38, %mul3A_39 : i32
      %add3A_41 = arith.addi %mul3A_22, %mul3A_40 : i32
      %add3A_42 = vector.broadcast %add3A_41 : i32 to vector<16xi32>
      %add3A_43 = arith.addi %add3A_42, %iota3A : vector<16xi32>
      %div3A = arith.constant 10 : i32
      %div3A_44 = vector.broadcast %div3A : i32 to vector<16xi32>
      %div3A_45 = arith.divsi %add3A_43, %div3A_44 : vector<16xi32>
      %min3A = arith.constant 9999 : i32
      %min3A_46 = vector.broadcast %min3A : i32 to vector<16xi32>
      %min3A_47 = arith.minsi %div3A_45, %min3A_46 : vector<16xi32>
      %gather3A = tpu.vector_load_idx %arg10[%min3A_47] : memref<10016xf32, #tpu.memory_space<vmem>>[vector<16xi32>], vector<16xf32>,
      %mul3A_48 = arith.constant 16 : i32
      %mul3A_49 = arith.muli %scan3A_38, %mul3A_48 : i32
      %swap3A = arith.index_cast %mul3A_49 : i32 to index
      %swap3A_50 = tpu.vector_load %arg9[%swap3A] {strides = array<i32>} : memref<3136xf32, #tpu.memory_space<vmem>>, vector<16xf32>,
      tpu.vector_store %arg9[%swap3A], %gather3A {strides = array<i32>} : memref<3136xf32, #tpu.memory_space<vmem>>, vector<16xf32>,
      %scan3A_51 = arith.constant 169 : i32
      %scan3A_52 = arith.addi %scan3A_33, %scan3A_51 : i32
      %mul3A_53 = arith.constant 16 : i32
      %mul3A_54 = arith.muli %scan3A_52, %mul3A_53 : i32
      %add3A_55 = arith.addi %mul3A_22, %mul3A_54 : i32
      %add3A_56 = vector.broadcast %add3A_55 : i32 to vector<16xi32>
      %add3A_57 = arith.addi %add3A_56, %iota3A : vector<16xi32>
      %div3A_58 = arith.constant 10 : i32
      %div3A_59 = vector.broadcast %div3A_58 : i32 to vector<16xi32>
      %div3A_60 = arith.divsi %add3A_57, %div3A_59 : vector<16xi32>
      %min3A_61 = arith.constant 9999 : i32
      %min3A_62 = vector.broadcast %min3A_61 : i32 to vector<16xi32>
      %min3A_63 = arith.minsi %div3A_60, %min3A_62 : vector<16xi32>
      %gather3A_64 = tpu.vector_load_idx %arg10[%min3A_63] : memref<10016xf32, #tpu.memory_space<vmem>>[vector<16xi32>], vector<16xf32>,
      %mul3A_65 = arith.constant 16 : i32
      %mul3A_66 = arith.muli %scan3A_52, %mul3A_65 : i32
      %swap3A_67 = arith.index_cast %mul3A_66 : i32 to index
      %swap3A_68 = tpu.vector_load %arg9[%swap3A_67] {strides = array<i32>} : memref<3136xf32, #tpu.memory_space<vmem>>, vector<16xf32>,
      tpu.vector_store %arg9[%swap3A_67], %gather3A_64 {strides = array<i32>} : memref<3136xf32, #tpu.memory_space<vmem>>, vector<16xf32>,
      %scan3A_69 = arith.constant 170 : i32
      %scan3A_70 = arith.addi %scan3A_33, %scan3A_69 : i32
      %mul3A_71 = arith.constant 16 : i32
      %mul3A_72 = arith.muli %scan3A_70, %mul3A_71 : i32
      %add3A_73 = arith.addi %mul3A_22, %mul3A_72 : i32
      %add3A_74 = vector.broadcast %add3A_73 : i32 to vector<16xi32>
      %add3A_75 = arith.addi %add3A_74, %iota3A : vector<16xi32>
      %div3A_76 = arith.constant 10 : i32
      %div3A_77 = vector.broadcast %div3A_76 : i32 to vector<16xi32>
      %div3A_78 = arith.divsi %add3A_75, %div3A_77 : vector<16xi32>
      %min3A_79 = arith.constant 9999 : i32
      %min3A_80 = vector.broadcast %min3A_79 : i32 to vector<16xi32>
      %min3A_81 = arith.minsi %div3A_78, %min3A_80 : vector<16xi32>
      %gather3A_82 = tpu.vector_load_idx %arg10[%min3A_81] : memref<10016xf32, #tpu.memory_space<vmem>>[vector<16xi32>], vector<16xf32>,
      %mul3A_83 = arith.constant 16 : i32
      %mul3A_84 = arith.muli %scan3A_70, %mul3A_83 : i32
      %swap3A_85 = arith.index_cast %mul3A_84 : i32 to index
      %swap3A_86 = tpu.vector_load %arg9[%swap3A_85] {strides = array<i32>} : memref<3136xf32, #tpu.memory_space<vmem>>, vector<16xf32>,
      tpu.vector_store %arg9[%swap3A_85], %gather3A_82 {strides = array<i32>} : memref<3136xf32, #tpu.memory_space<vmem>>, vector<16xf32>,
      %scan3A_87 = arith.constant 171 : i32
      %scan3A_88 = arith.addi %scan3A_33, %scan3A_87 : i32
      %mul3A_89 = arith.constant 16 : i32
      %mul3A_90 = arith.muli %scan3A_88, %mul3A_89 : i32
      %add3A_91 = arith.addi %mul3A_22, %mul3A_90 : i32
      %add3A_92 = vector.broadcast %add3A_91 : i32 to vector<16xi32>
      %add3A_93 = arith.addi %add3A_92, %iota3A : vector<16xi32>
      %div3A_94 = arith.constant 10 : i32
      %div3A_95 = vector.broadcast %div3A_94 : i32 to vector<16xi32>
      %div3A_96 = arith.divsi %add3A_93, %div3A_95 : vector<16xi32>
      %min3A_97 = arith.constant 9999 : i32
      %min3A_98 = vector.broadcast %min3A_97 : i32 to vector<16xi32>
      %min3A_99 = arith.minsi %div3A_96, %min3A_98 : vector<16xi32>
      %gather3A_100 = tpu.vector_load_idx %arg10[%min3A_99] : memref<10016xf32, #tpu.memory_space<vmem>>[vector<16xi32>], vector<16xf32>,
      %mul3A_101 = arith.constant 16 : i32
      %mul3A_102 = arith.muli %scan3A_88, %mul3A_101 : i32
      %swap3A_103 = arith.index_cast %mul3A_102 : i32 to index
      %swap3A_104 = tpu.vector_load %arg9[%swap3A_103] {strides = array<i32>} : memref<3136xf32, #tpu.memory_space<vmem>>, vector<16xf32>,
      tpu.vector_store %arg9[%swap3A_103], %gather3A_100 {strides = array<i32>} : memref<3136xf32, #tpu.memory_space<vmem>>, vector<16xf32>,
      %scan3A_105 = arith.constant 172 : i32
      %scan3A_106 = arith.addi %scan3A_33, %scan3A_105 : i32
      %mul3A_107 = arith.constant 16 : i32
      %mul3A_108 = arith.muli %scan3A_106, %mul3A_107 : i32
      %add3A_109 = arith.addi %mul3A_22, %mul3A_108 : i32
      %add3A_110 = vector.broadcast %add3A_109 : i32 to vector<16xi32>
      %add3A_111 = arith.addi %add3A_110, %iota3A : vector<16xi32>
      %div3A_112 = arith.constant 10 : i32
      %div3A_113 = vector.broadcast %div3A_112 : i32 to vector<16xi32>
      %div3A_114 = arith.divsi %add3A_111, %div3A_113 : vector<16xi32>
      %min3A_115 = arith.constant 9999 : i32
      %min3A_116 = vector.broadcast %min3A_115 : i32 to vector<16xi32>
      %min3A_117 = arith.minsi %div3A_114, %min3A_116 : vector<16xi32>
      %gather3A_118 = tpu.vector_load_idx %arg10[%min3A_117] : memref<10016xf32, #tpu.memory_space<vmem>>[vector<16xi32>], vector<16xf32>,
      %mul3A_119 = arith.constant 16 : i32
      %mul3A_120 = arith.muli %scan3A_106, %mul3A_119 : i32
      %swap3A_121 = arith.index_cast %mul3A_120 : i32 to index
      %swap3A_122 = tpu.vector_load %arg9[%swap3A_121] {strides = array<i32>} : memref<3136xf32, #tpu.memory_space<vmem>>, vector<16xf32>,
      tpu.vector_store %arg9[%swap3A_121], %gather3A_118 {strides = array<i32>} : memref<3136xf32, #tpu.memory_space<vmem>>, vector<16xf32>,
      %scan3A_123 = arith.constant 173 : i32
      %scan3A_124 = arith.addi %scan3A_33, %scan3A_123 : i32
      %mul3A_125 = arith.constant 16 : i32
      %mul3A_126 = arith.muli %scan3A_124, %mul3A_125 : i32
      %add3A_127 = arith.addi %mul3A_22, %mul3A_126 : i32
      %add3A_128 = vector.broadcast %add3A_127 : i32 to vector<16xi32>
      %add3A_129 = arith.addi %add3A_128, %iota3A : vector<16xi32>
      %div3A_130 = arith.constant 10 : i32
      %div3A_131 = vector.broadcast %div3A_130 : i32 to vector<16xi32>
      %div3A_132 = arith.divsi %add3A_129, %div3A_131 : vector<16xi32>
      %min3A_133 = arith.constant 9999 : i32
      %min3A_134 = vector.broadcast %min3A_133 : i32 to vector<16xi32>
      %min3A_135 = arith.minsi %div3A_132, %min3A_134 : vector<16xi32>
      %gather3A_136 = tpu.vector_load_idx %arg10[%min3A_135] : memref<10016xf32, #tpu.memory_space<vmem>>[vector<16xi32>], vector<16xf32>,
      %mul3A_137 = arith.constant 16 : i32
      %mul3A_138 = arith.muli %scan3A_124, %mul3A_137 : i32
      %swap3A_139 = arith.index_cast %mul3A_138 : i32 to index
      %swap3A_140 = tpu.vector_load %arg9[%swap3A_139] {strides = array<i32>} : memref<3136xf32, #tpu.memory_space<vmem>>, vector<16xf32>,
      tpu.vector_store %arg9[%swap3A_139], %gather3A_136 {strides = array<i32>} : memref<3136xf32, #tpu.memory_space<vmem>>, vector<16xf32>,
      %scan3A_141 = arith.constant 174 : i32
      "tpu.region"() ({
        %run_scoped3A = tpu.sem_alloc : memref<!tpu.dma_semaphore, #tpu.memory_space<semaphore_mem>>
        %dma_start3A = arith.constant 0 : i32
        %dma_start3A_142 = tpu.memref_slice %arg9[%dma_start3A] : memref<3136xf32, #tpu.memory_space<vmem>> -> memref<2784xf32, #tpu.memory_space<vmem>>
        %dma_start3A_143 = arith.constant 97216 : i32
        %dma_start3A_144 = tpu.memref_slice %arg5[%dma_start3A_143] : memref<100000xf32, #tpu.memory_space<hbm>> -> memref<2784xf32, #tpu.memory_space<hbm>>
        %dma_start3A_145 = arith.constant 97216 : i32
        %dma_start3A_146 = tpu.memref_slice %arg5[%dma_start3A_145] : memref<100000xf32, #tpu.memory_space<hbm>> -> memref<2784xf32, #tpu.memory_space<hbm>>
        %dma_start3A_147 = arith.constant 0 : i32
        %dma_start3A_148 = tpu.memref_slice %arg9[%dma_start3A_147] : memref<3136xf32, #tpu.memory_space<vmem>> -> memref<2784xf32, #tpu.memory_space<vmem>>
        tpu.enqueue_dma source(%dma_start3A_148 : memref<2784xf32, #tpu.memory_space<vmem>>) target(%dma_start3A_146 : memref<2784xf32, #tpu.memory_space<hbm>>) target_semaphore(%run_scoped3A : memref<!tpu.dma_semaphore, #tpu.memory_space<semaphore_mem>>)
        %dma_wait3A = arith.constant 0 : i32
        %dma_wait3A_149 = tpu.memref_slice %arg9[%dma_wait3A] : memref<3136xf32, #tpu.memory_space<vmem>> -> memref<2784xf32, #tpu.memory_space<vmem>>
        %dma_wait3A_150 = arith.constant 97216 : i32
        %dma_wait3A_151 = tpu.memref_slice %arg5[%dma_wait3A_150] : memref<100000xf32, #tpu.memory_space<hbm>> -> memref<2784xf32, #tpu.memory_space<hbm>>
        %dma_wait3A_152 = arith.constant 97216 : i32
        %dma_wait3A_153 = tpu.memref_slice %arg5[%dma_wait3A_152] : memref<100000xf32, #tpu.memory_space<hbm>> -> memref<2784xf32, #tpu.memory_space<hbm>>
        %dma_wait3A_154 = arith.constant 0 : i32
        %dma_wait3A_155 = tpu.memref_slice %arg9[%dma_wait3A_154] : memref<3136xf32, #tpu.memory_space<vmem>> -> memref<2784xf32, #tpu.memory_space<vmem>>
        tpu.wait_dma2 semaphore(%run_scoped3A : memref<!tpu.dma_semaphore, #tpu.memory_space<semaphore_mem>>) src(%dma_wait3A_155 : memref<2784xf32, #tpu.memory_space<vmem>>) dst(%dma_wait3A_153 : memref<2784xf32, #tpu.memory_space<hbm>>)
        tpu.yield
      }) : () -> ()
    } else {
    }
    return
  }
}

module attributes {stable_mosaic.version = 14 : i64} {
  func.func @_ew_tc_body(%arg0: memref<10000xf32, #tpu.memory_space<vmem>>, %arg1: memref<100000xf32, #tpu.memory_space<vmem>>, %arg2: memref<1xf32, #tpu.memory_space<vmem>>, %arg3: memref<520090xf32, #tpu.memory_space<vmem>>) attributes {dimension_semantics = [], scalar_prefetch = 0 : i64, scratch_operands = 0 : i64, tpu.core_type = #tpu.core_type<tc>} {
    %iota3A = tpu.iota {dimensions = array<i32: 1>} : vector<1x128xi32>
    %iota3A_0 = vector.shape_cast %iota3A : vector<1x128xi32> to vector<128xi32>
    %get3A = arith.constant 0 : index
    %get3A_1 = vector.load %arg2[%get3A] : memref<1xf32, #tpu.memory_space<vmem>>, vector<1xf32>
    %broadcast_in_dim3A = vector.shape_cast %get3A_1 : vector<1xf32> to vector<1xf32>
    %broadcast_in_dim3A_2 = vector.broadcast %broadcast_in_dim3A : vector<1xf32> to vector<128xf32>
    %lt3A = arith.constant 90 : i32
    %lt3A_3 = vector.broadcast %lt3A : i32 to vector<128xi32>
    %lt3A_4 = arith.cmpi slt, %iota3A_0, %lt3A_3 : vector<128xi32>
    %jit3A = arith.constant 1.000000e+00 : f32
    %broadcast_in_dim3A_5 = vector.broadcast %jit3A : f32 to vector<128xf32>
    %select_n3A = arith.select %lt3A_4, %broadcast_in_dim3A_2, %broadcast_in_dim3A_5 : vector<128xi1>, vector<128xf32>
    %swap3A = arith.constant 0 : index
    %swap3A_6 = vector.load %arg3[%swap3A] : memref<520090xf32, #tpu.memory_space<vmem>>, vector<128xf32>
    tpu.vector_store %arg3[%swap3A], %select_n3A {strides = array<i32>} : memref<520090xf32, #tpu.memory_space<vmem>>, vector<128xf32>,
    %broadcast_in_dim3A_7 = arith.constant 1.000000e+00 : f32
    %broadcast_in_dim3A_8 = vector.broadcast %broadcast_in_dim3A_7 : f32 to vector<319962xf32>
    %swap3A_9 = arith.constant 128 : index
    %swap3A_10 = vector.load %arg3[%swap3A_9] : memref<520090xf32, #tpu.memory_space<vmem>>, vector<319962xf32>
    tpu.vector_store %arg3[%swap3A_9], %broadcast_in_dim3A_8 {strides = array<i32>} : memref<520090xf32, #tpu.memory_space<vmem>>, vector<319962xf32>,
    %get3A_11 = arith.constant 0 : index
    %get3A_12 = vector.load %arg0[%get3A_11] : memref<10000xf32, #tpu.memory_space<vmem>>, vector<10000xf32>
    %swap3A_13 = arith.constant 320090 : index
    %swap3A_14 = vector.load %arg3[%swap3A_13] : memref<520090xf32, #tpu.memory_space<vmem>>, vector<10000xf32>
    tpu.vector_store %arg3[%swap3A_13], %get3A_12 {strides = array<i32>} : memref<520090xf32, #tpu.memory_space<vmem>>, vector<10000xf32>,
    %get3A_15 = arith.constant 0 : index
    %get3A_16 = vector.load %arg0[%get3A_15] : memref<10000xf32, #tpu.memory_space<vmem>>, vector<10000xf32>
    %swap3A_17 = arith.constant 330090 : index
    %swap3A_18 = vector.load %arg3[%swap3A_17] : memref<520090xf32, #tpu.memory_space<vmem>>, vector<10000xf32>
    tpu.vector_store %arg3[%swap3A_17], %get3A_16 {strides = array<i32>} : memref<520090xf32, #tpu.memory_space<vmem>>, vector<10000xf32>,
    %get3A_19 = arith.constant 0 : index
    %get3A_20 = vector.load %arg0[%get3A_19] : memref<10000xf32, #tpu.memory_space<vmem>>, vector<10000xf32>
    %swap3A_21 = arith.constant 340090 : index
    %swap3A_22 = vector.load %arg3[%swap3A_21] : memref<520090xf32, #tpu.memory_space<vmem>>, vector<10000xf32>
    tpu.vector_store %arg3[%swap3A_21], %get3A_20 {strides = array<i32>} : memref<520090xf32, #tpu.memory_space<vmem>>, vector<10000xf32>,
    %get3A_23 = arith.constant 0 : index
    %get3A_24 = vector.load %arg0[%get3A_23] : memref<10000xf32, #tpu.memory_space<vmem>>, vector<10000xf32>
    %swap3A_25 = arith.constant 350090 : index
    %swap3A_26 = vector.load %arg3[%swap3A_25] : memref<520090xf32, #tpu.memory_space<vmem>>, vector<10000xf32>
    tpu.vector_store %arg3[%swap3A_25], %get3A_24 {strides = array<i32>} : memref<520090xf32, #tpu.memory_space<vmem>>, vector<10000xf32>,
    %get3A_27 = arith.constant 0 : index
    %get3A_28 = vector.load %arg0[%get3A_27] : memref<10000xf32, #tpu.memory_space<vmem>>, vector<10000xf32>
    %swap3A_29 = arith.constant 360090 : index
    %swap3A_30 = vector.load %arg3[%swap3A_29] : memref<520090xf32, #tpu.memory_space<vmem>>, vector<10000xf32>
    tpu.vector_store %arg3[%swap3A_29], %get3A_28 {strides = array<i32>} : memref<520090xf32, #tpu.memory_space<vmem>>, vector<10000xf32>,
    %get3A_31 = arith.constant 0 : index
    %get3A_32 = vector.load %arg0[%get3A_31] : memref<10000xf32, #tpu.memory_space<vmem>>, vector<10000xf32>
    %swap3A_33 = arith.constant 370090 : index
    %swap3A_34 = vector.load %arg3[%swap3A_33] : memref<520090xf32, #tpu.memory_space<vmem>>, vector<10000xf32>
    tpu.vector_store %arg3[%swap3A_33], %get3A_32 {strides = array<i32>} : memref<520090xf32, #tpu.memory_space<vmem>>, vector<10000xf32>,
    %get3A_35 = arith.constant 0 : index
    %get3A_36 = vector.load %arg0[%get3A_35] : memref<10000xf32, #tpu.memory_space<vmem>>, vector<10000xf32>
    %swap3A_37 = arith.constant 380090 : index
    %swap3A_38 = vector.load %arg3[%swap3A_37] : memref<520090xf32, #tpu.memory_space<vmem>>, vector<10000xf32>
    tpu.vector_store %arg3[%swap3A_37], %get3A_36 {strides = array<i32>} : memref<520090xf32, #tpu.memory_space<vmem>>, vector<10000xf32>,
    %get3A_39 = arith.constant 0 : index
    %get3A_40 = vector.load %arg0[%get3A_39] : memref<10000xf32, #tpu.memory_space<vmem>>, vector<10000xf32>
    %swap3A_41 = arith.constant 390090 : index
    %swap3A_42 = vector.load %arg3[%swap3A_41] : memref<520090xf32, #tpu.memory_space<vmem>>, vector<10000xf32>
    tpu.vector_store %arg3[%swap3A_41], %get3A_40 {strides = array<i32>} : memref<520090xf32, #tpu.memory_space<vmem>>, vector<10000xf32>,
    %get3A_43 = arith.constant 0 : index
    %get3A_44 = vector.load %arg0[%get3A_43] : memref<10000xf32, #tpu.memory_space<vmem>>, vector<10000xf32>
    %swap3A_45 = arith.constant 400090 : index
    %swap3A_46 = vector.load %arg3[%swap3A_45] : memref<520090xf32, #tpu.memory_space<vmem>>, vector<10000xf32>
    tpu.vector_store %arg3[%swap3A_45], %get3A_44 {strides = array<i32>} : memref<520090xf32, #tpu.memory_space<vmem>>, vector<10000xf32>,
    %get3A_47 = arith.constant 0 : index
    %get3A_48 = vector.load %arg0[%get3A_47] : memref<10000xf32, #tpu.memory_space<vmem>>, vector<10000xf32>
    %swap3A_49 = arith.constant 410090 : index
    %swap3A_50 = vector.load %arg3[%swap3A_49] : memref<520090xf32, #tpu.memory_space<vmem>>, vector<10000xf32>
    tpu.vector_store %arg3[%swap3A_49], %get3A_48 {strides = array<i32>} : memref<520090xf32, #tpu.memory_space<vmem>>, vector<10000xf32>,
    %get3A_51 = arith.constant 0 : index
    %get3A_52 = vector.load %arg1[%get3A_51] : memref<100000xf32, #tpu.memory_space<vmem>>, vector<100000xf32>
    %swap3A_53 = arith.constant 420090 : index
    %swap3A_54 = vector.load %arg3[%swap3A_53] : memref<520090xf32, #tpu.memory_space<vmem>>, vector<100000xf32>
    tpu.vector_store %arg3[%swap3A_53], %get3A_52 {strides = array<i32>} : memref<520090xf32, #tpu.memory_space<vmem>>, vector<100000xf32>,
    return
  }
}

module attributes {stable_mosaic.version = 14 : i64} {
  func.func @_tc_body(%arg0: memref<10x128xf32, #tpu.memory_space<vmem>>, %arg1: memref<10000x128xf32, #tpu.memory_space<vmem>>, %arg2: memref<10x32xf32, #tpu.memory_space<vmem>>, %arg3: memref<10000x32xf32, #tpu.memory_space<vmem>>, %arg4: memref<2x320000xi32, #tpu.memory_space<vmem>>, %arg5: memref<10010x128xf32, #tpu.memory_space<vmem>>, %arg6: memref<10010x32xf32, #tpu.memory_space<vmem>>, %arg7: memref<2x520090xi32, #tpu.memory_space<vmem>>) attributes {dimension_semantics = [], scalar_prefetch = 0 : i64, scratch_operands = 0 : i64, tpu.core_type = #tpu.core_type<tc>} {
    %get3A = arith.constant 0 : index
    %get3A_0 = arith.constant 0 : index
    %get3A_1 = vector.load %arg0[%get3A, %get3A_0] : memref<10x128xf32, #tpu.memory_space<vmem>>, vector<10x128xf32>
    %swap3A = arith.constant 0 : index
    %swap3A_2 = arith.constant 0 : index
    %swap3A_3 = vector.load %arg5[%swap3A, %swap3A_2] : memref<10010x128xf32, #tpu.memory_space<vmem>>, vector<10x128xf32>
    tpu.vector_store %arg5[%swap3A, %swap3A_2], %get3A_1 {strides = array<i32>} : memref<10010x128xf32, #tpu.memory_space<vmem>>, vector<10x128xf32>,
    %get3A_4 = arith.constant 0 : index
    %get3A_5 = arith.constant 0 : index
    %get3A_6 = vector.load %arg1[%get3A_4, %get3A_5] : memref<10000x128xf32, #tpu.memory_space<vmem>>, vector<10000x128xf32>
    %swap3A_7 = arith.constant 10 : index
    %swap3A_8 = arith.constant 0 : index
    %swap3A_9 = vector.load %arg5[%swap3A_7, %swap3A_8] : memref<10010x128xf32, #tpu.memory_space<vmem>>, vector<10000x128xf32>
    tpu.vector_store %arg5[%swap3A_7, %swap3A_8], %get3A_6 {strides = array<i32>} : memref<10010x128xf32, #tpu.memory_space<vmem>>, vector<10000x128xf32>,
    %get3A_10 = arith.constant 0 : index
    %get3A_11 = arith.constant 0 : index
    %get3A_12 = vector.load %arg2[%get3A_10, %get3A_11] : memref<10x32xf32, #tpu.memory_space<vmem>>, vector<10x32xf32>
    %swap3A_13 = arith.constant 0 : index
    %swap3A_14 = arith.constant 0 : index
    %swap3A_15 = vector.load %arg6[%swap3A_13, %swap3A_14] : memref<10010x32xf32, #tpu.memory_space<vmem>>, vector<10x32xf32>
    tpu.vector_store %arg6[%swap3A_13, %swap3A_14], %get3A_12 {strides = array<i32>} : memref<10010x32xf32, #tpu.memory_space<vmem>>, vector<10x32xf32>,
    %get3A_16 = arith.constant 0 : index
    %get3A_17 = arith.constant 0 : index
    %get3A_18 = vector.load %arg3[%get3A_16, %get3A_17] : memref<10000x32xf32, #tpu.memory_space<vmem>>, vector<10000x32xf32>
    %swap3A_19 = arith.constant 10 : index
    %swap3A_20 = arith.constant 0 : index
    %swap3A_21 = vector.load %arg6[%swap3A_19, %swap3A_20] : memref<10010x32xf32, #tpu.memory_space<vmem>>, vector<10000x32xf32>
    tpu.vector_store %arg6[%swap3A_19, %swap3A_20], %get3A_18 {strides = array<i32>} : memref<10010x32xf32, #tpu.memory_space<vmem>>, vector<10000x32xf32>,
    %iota3A = tpu.iota {dimensions = array<i32: 1>} : vector<1x90xi32>
    %jit3A = arith.constant 9 : i32
    %div3A = vector.broadcast %jit3A : i32 to vector<1x90xi32>
    %div3A_22 = arith.divsi %iota3A, %div3A : vector<1x90xi32>
    %sign3A = arith.constant 0 : i32
    %sign3A_23 = vector.broadcast %sign3A : i32 to vector<1x90xi32>
    %sign3A_24 = arith.cmpi sgt, %iota3A, %sign3A_23 : vector<1x90xi32>
    %sign3A_25 = arith.extui %sign3A_24 : vector<1x90xi1> to vector<1x90xi32>
    %sign3A_26 = arith.constant 0 : i32
    %sign3A_27 = vector.broadcast %sign3A_26 : i32 to vector<1x90xi32>
    %sign3A_28 = arith.cmpi slt, %iota3A, %sign3A_27 : vector<1x90xi32>
    %sign3A_29 = arith.extui %sign3A_28 : vector<1x90xi1> to vector<1x90xi32>
    %sign3A_30 = arith.subi %sign3A_25, %sign3A_29 : vector<1x90xi32>
    %sign3A_31 = arith.constant 0 : i32
    %sign3A_32 = arith.cmpi sgt, %jit3A, %sign3A_31 : i32
    %sign3A_33 = arith.extui %sign3A_32 : i1 to i32
    %sign3A_34 = arith.constant 0 : i32
    %sign3A_35 = arith.cmpi slt, %jit3A, %sign3A_34 : i32
    %sign3A_36 = arith.extui %sign3A_35 : i1 to i32
    %sign3A_37 = arith.subi %sign3A_33, %sign3A_36 : i32
    %ne3A = vector.broadcast %sign3A_37 : i32 to vector<1x90xi32>
    %ne3A_38 = arith.cmpi ne, %sign3A_30, %ne3A : vector<1x90xi32>
    %rem3A = vector.broadcast %jit3A : i32 to vector<1x90xi32>
    %rem3A_39 = arith.remsi %iota3A, %rem3A : vector<1x90xi32>
    %ne3A_40 = arith.constant 0 : i32
    %ne3A_41 = vector.broadcast %ne3A_40 : i32 to vector<1x90xi32>
    %ne3A_42 = arith.cmpi ne, %rem3A_39, %ne3A_41 : vector<1x90xi32>
    %and3A = arith.andi %ne3A_38, %ne3A_42 : vector<1x90xi1>
    %sub3A = arith.constant 1 : i32
    %sub3A_43 = vector.broadcast %sub3A : i32 to vector<1x90xi32>
    %sub3A_44 = arith.subi %div3A_22, %sub3A_43 : vector<1x90xi32>
    %select_n3A = arith.select %and3A, %sub3A_44, %div3A_22 : vector<1x90xi1>, vector<1x90xi32>
    %jit3A_45 = arith.constant 9 : i32
    %eq3A = arith.constant 0 : i32
    %eq3A_46 = arith.cmpi eq, %jit3A_45, %eq3A : i32
    %jit3A_47 = arith.constant 1 : i32
    %select_n3A_48 = arith.select %eq3A_46, %jit3A_47, %jit3A_45 : i32
    %rem3A_49 = vector.broadcast %select_n3A_48 : i32 to vector<1x90xi32>
    %rem3A_50 = arith.remsi %iota3A, %rem3A_49 : vector<1x90xi32>
    %ne3A_51 = arith.constant 0 : i32
    %ne3A_52 = vector.broadcast %ne3A_51 : i32 to vector<1x90xi32>
    %ne3A_53 = arith.cmpi ne, %rem3A_50, %ne3A_52 : vector<1x90xi32>
    %lt3A = arith.constant 0 : i32
    %lt3A_54 = vector.broadcast %lt3A : i32 to vector<1x90xi32>
    %lt3A_55 = arith.cmpi slt, %rem3A_50, %lt3A_54 : vector<1x90xi32>
    %lt3A_56 = arith.constant 0 : i32
    %lt3A_57 = arith.cmpi slt, %select_n3A_48, %lt3A_56 : i32
    %ne3A_58 = vector.broadcast %lt3A_57 : i1 to vector<1x90xi1>
    %ne3A_59 = vector.broadcast %ne3A_58 : vector<1x90xi1> to vector<1x90xi1>
    %ne3A_60 = arith.xori %lt3A_55, %ne3A_59 : vector<1x90xi1>
    %and3A_61 = arith.andi %ne3A_60, %ne3A_53 : vector<1x90xi1>
    %add3A = vector.broadcast %select_n3A_48 : i32 to vector<1x90xi32>
    %add3A_62 = arith.addi %rem3A_50, %add3A : vector<1x90xi32>
    %select_n3A_63 = arith.select %and3A_61, %add3A_62, %rem3A_50 : vector<1x90xi1>, vector<1x90xi32>
    %ge3A = arith.cmpi sge, %select_n3A_63, %select_n3A : vector<1x90xi32>
    %convert_element_type3A = arith.extui %ge3A : vector<1x90xi1> to vector<1x90xi32>
    %add3A_64 = arith.addi %select_n3A_63, %convert_element_type3A : vector<1x90xi32>
    %swap3A_65 = arith.constant 0 : index
    %swap3A_66 = arith.constant 0 : index
    %swap3A_67 = vector.load %arg7[%swap3A_65, %swap3A_66] : memref<2x520090xi32, #tpu.memory_space<vmem>>, vector<1x90xi32>
    tpu.vector_store %arg7[%swap3A_65, %swap3A_66], %select_n3A {strides = array<i32>} : memref<2x520090xi32, #tpu.memory_space<vmem>>, vector<1x90xi32>,
    %swap3A_68 = arith.constant 1 : index
    %swap3A_69 = arith.constant 0 : index
    %swap3A_70 = vector.load %arg7[%swap3A_68, %swap3A_69] : memref<2x520090xi32, #tpu.memory_space<vmem>>, vector<1x90xi32>
    tpu.vector_store %arg7[%swap3A_68, %swap3A_69], %add3A_64 {strides = array<i32>} : memref<2x520090xi32, #tpu.memory_space<vmem>>, vector<1x90xi32>,
    %get3A_71 = arith.constant 0 : index
    %get3A_72 = arith.constant 0 : index
    %get3A_73 = vector.load %arg4[%get3A_71, %get3A_72] : memref<2x320000xi32, #tpu.memory_space<vmem>>, vector<2x320000xi32>
    %add3A_74 = arith.constant 10 : i32
    %add3A_75 = vector.broadcast %add3A_74 : i32 to vector<2x320000xi32>
    %add3A_76 = arith.addi %get3A_73, %add3A_75 : vector<2x320000xi32>
    %swap3A_77 = arith.constant 0 : index
    %swap3A_78 = arith.constant 90 : index
    %swap3A_79 = vector.load %arg7[%swap3A_77, %swap3A_78] : memref<2x520090xi32, #tpu.memory_space<vmem>>, vector<2x320000xi32>
    tpu.vector_store %arg7[%swap3A_77, %swap3A_78], %add3A_76 {strides = array<i32>} : memref<2x520090xi32, #tpu.memory_space<vmem>>, vector<2x320000xi32>,
    %iota3A_80 = tpu.iota {dimensions = array<i32: 1>} : vector<1x100000xi32>
    %jit3A_81 = arith.constant 10000 : i32
    %div3A_82 = vector.broadcast %jit3A_81 : i32 to vector<1x100000xi32>
    %div3A_83 = arith.divsi %iota3A_80, %div3A_82 : vector<1x100000xi32>
    %sign3A_84 = arith.constant 0 : i32
    %sign3A_85 = vector.broadcast %sign3A_84 : i32 to vector<1x100000xi32>
    %sign3A_86 = arith.cmpi sgt, %iota3A_80, %sign3A_85 : vector<1x100000xi32>
    %sign3A_87 = arith.extui %sign3A_86 : vector<1x100000xi1> to vector<1x100000xi32>
    %sign3A_88 = arith.constant 0 : i32
    %sign3A_89 = vector.broadcast %sign3A_88 : i32 to vector<1x100000xi32>
    %sign3A_90 = arith.cmpi slt, %iota3A_80, %sign3A_89 : vector<1x100000xi32>
    %sign3A_91 = arith.extui %sign3A_90 : vector<1x100000xi1> to vector<1x100000xi32>
    %sign3A_92 = arith.subi %sign3A_87, %sign3A_91 : vector<1x100000xi32>
    %sign3A_93 = arith.constant 0 : i32
    %sign3A_94 = arith.cmpi sgt, %jit3A_81, %sign3A_93 : i32
    %sign3A_95 = arith.extui %sign3A_94 : i1 to i32
    %sign3A_96 = arith.constant 0 : i32
    %sign3A_97 = arith.cmpi slt, %jit3A_81, %sign3A_96 : i32
    %sign3A_98 = arith.extui %sign3A_97 : i1 to i32
    %sign3A_99 = arith.subi %sign3A_95, %sign3A_98 : i32
    %ne3A_100 = vector.broadcast %sign3A_99 : i32 to vector<1x100000xi32>
    %ne3A_101 = arith.cmpi ne, %sign3A_92, %ne3A_100 : vector<1x100000xi32>
    %rem3A_102 = vector.broadcast %jit3A_81 : i32 to vector<1x100000xi32>
    %rem3A_103 = arith.remsi %iota3A_80, %rem3A_102 : vector<1x100000xi32>
    %ne3A_104 = arith.constant 0 : i32
    %ne3A_105 = vector.broadcast %ne3A_104 : i32 to vector<1x100000xi32>
    %ne3A_106 = arith.cmpi ne, %rem3A_103, %ne3A_105 : vector<1x100000xi32>
    %and3A_107 = arith.andi %ne3A_101, %ne3A_106 : vector<1x100000xi1>
    %sub3A_108 = arith.constant 1 : i32
    %sub3A_109 = vector.broadcast %sub3A_108 : i32 to vector<1x100000xi32>
    %sub3A_110 = arith.subi %div3A_83, %sub3A_109 : vector<1x100000xi32>
    %select_n3A_111 = arith.select %and3A_107, %sub3A_110, %div3A_83 : vector<1x100000xi1>, vector<1x100000xi32>
    %swap3A_112 = arith.constant 0 : index
    %swap3A_113 = arith.constant 320090 : index
    %swap3A_114 = vector.load %arg7[%swap3A_112, %swap3A_113] : memref<2x520090xi32, #tpu.memory_space<vmem>>, vector<1x100000xi32>
    tpu.vector_store %arg7[%swap3A_112, %swap3A_113], %select_n3A_111 {strides = array<i32>} : memref<2x520090xi32, #tpu.memory_space<vmem>>, vector<1x100000xi32>,
    %jit3A_115 = arith.constant 10000 : i32
    %eq3A_116 = arith.constant 0 : i32
    %eq3A_117 = arith.cmpi eq, %jit3A_115, %eq3A_116 : i32
    %jit3A_118 = arith.constant 1 : i32
    %select_n3A_119 = arith.select %eq3A_117, %jit3A_118, %jit3A_115 : i32
    %rem3A_120 = vector.broadcast %select_n3A_119 : i32 to vector<1x100000xi32>
    %rem3A_121 = arith.remsi %iota3A_80, %rem3A_120 : vector<1x100000xi32>
    %ne3A_122 = arith.constant 0 : i32
    %ne3A_123 = vector.broadcast %ne3A_122 : i32 to vector<1x100000xi32>
    %ne3A_124 = arith.cmpi ne, %rem3A_121, %ne3A_123 : vector<1x100000xi32>
    %lt3A_125 = arith.constant 0 : i32
    %lt3A_126 = vector.broadcast %lt3A_125 : i32 to vector<1x100000xi32>
    %lt3A_127 = arith.cmpi slt, %rem3A_121, %lt3A_126 : vector<1x100000xi32>
    %lt3A_128 = arith.constant 0 : i32
    %lt3A_129 = arith.cmpi slt, %select_n3A_119, %lt3A_128 : i32
    %ne3A_130 = vector.broadcast %lt3A_129 : i1 to vector<1x100000xi1>
    %ne3A_131 = vector.broadcast %ne3A_130 : vector<1x100000xi1> to vector<1x100000xi1>
    %ne3A_132 = arith.xori %lt3A_127, %ne3A_131 : vector<1x100000xi1>
    %and3A_133 = arith.andi %ne3A_132, %ne3A_124 : vector<1x100000xi1>
    %add3A_134 = vector.broadcast %select_n3A_119 : i32 to vector<1x100000xi32>
    %add3A_135 = arith.addi %rem3A_121, %add3A_134 : vector<1x100000xi32>
    %select_n3A_136 = arith.select %and3A_133, %add3A_135, %rem3A_121 : vector<1x100000xi1>, vector<1x100000xi32>
    %add3A_137 = arith.constant 10 : i32
    %add3A_138 = vector.broadcast %add3A_137 : i32 to vector<1x100000xi32>
    %add3A_139 = arith.addi %select_n3A_136, %add3A_138 : vector<1x100000xi32>
    %swap3A_140 = arith.constant 1 : index
    %swap3A_141 = arith.constant 320090 : index
    %swap3A_142 = vector.load %arg7[%swap3A_140, %swap3A_141] : memref<2x520090xi32, #tpu.memory_space<vmem>>, vector<1x100000xi32>
    tpu.vector_store %arg7[%swap3A_140, %swap3A_141], %add3A_139 {strides = array<i32>} : memref<2x520090xi32, #tpu.memory_space<vmem>>, vector<1x100000xi32>,
    %jit3A_143 = arith.constant 10 : i32
    %div3A_144 = vector.broadcast %jit3A_143 : i32 to vector<1x100000xi32>
    %div3A_145 = arith.divsi %iota3A_80, %div3A_144 : vector<1x100000xi32>
    %sign3A_146 = arith.constant 0 : i32
    %sign3A_147 = vector.broadcast %sign3A_146 : i32 to vector<1x100000xi32>
    %sign3A_148 = arith.cmpi sgt, %iota3A_80, %sign3A_147 : vector<1x100000xi32>
    %sign3A_149 = arith.extui %sign3A_148 : vector<1x100000xi1> to vector<1x100000xi32>
    %sign3A_150 = arith.constant 0 : i32
    %sign3A_151 = vector.broadcast %sign3A_150 : i32 to vector<1x100000xi32>
    %sign3A_152 = arith.cmpi slt, %iota3A_80, %sign3A_151 : vector<1x100000xi32>
    %sign3A_153 = arith.extui %sign3A_152 : vector<1x100000xi1> to vector<1x100000xi32>
    %sign3A_154 = arith.subi %sign3A_149, %sign3A_153 : vector<1x100000xi32>
    %sign3A_155 = arith.constant 0 : i32
    %sign3A_156 = arith.cmpi sgt, %jit3A_143, %sign3A_155 : i32
    %sign3A_157 = arith.extui %sign3A_156 : i1 to i32
    %sign3A_158 = arith.constant 0 : i32
    %sign3A_159 = arith.cmpi slt, %jit3A_143, %sign3A_158 : i32
    %sign3A_160 = arith.extui %sign3A_159 : i1 to i32
    %sign3A_161 = arith.subi %sign3A_157, %sign3A_160 : i32
    %ne3A_162 = vector.broadcast %sign3A_161 : i32 to vector<1x100000xi32>
    %ne3A_163 = arith.cmpi ne, %sign3A_154, %ne3A_162 : vector<1x100000xi32>
    %rem3A_164 = vector.broadcast %jit3A_143 : i32 to vector<1x100000xi32>
    %rem3A_165 = arith.remsi %iota3A_80, %rem3A_164 : vector<1x100000xi32>
    %ne3A_166 = arith.constant 0 : i32
    %ne3A_167 = vector.broadcast %ne3A_166 : i32 to vector<1x100000xi32>
    %ne3A_168 = arith.cmpi ne, %rem3A_165, %ne3A_167 : vector<1x100000xi32>
    %and3A_169 = arith.andi %ne3A_163, %ne3A_168 : vector<1x100000xi1>
    %sub3A_170 = arith.constant 1 : i32
    %sub3A_171 = vector.broadcast %sub3A_170 : i32 to vector<1x100000xi32>
    %sub3A_172 = arith.subi %div3A_145, %sub3A_171 : vector<1x100000xi32>
    %select_n3A_173 = arith.select %and3A_169, %sub3A_172, %div3A_145 : vector<1x100000xi1>, vector<1x100000xi32>
    %add3A_174 = arith.constant 10 : i32
    %add3A_175 = vector.broadcast %add3A_174 : i32 to vector<1x100000xi32>
    %add3A_176 = arith.addi %select_n3A_173, %add3A_175 : vector<1x100000xi32>
    %swap3A_177 = arith.constant 0 : index
    %swap3A_178 = arith.constant 420090 : index
    %swap3A_179 = vector.load %arg7[%swap3A_177, %swap3A_178] : memref<2x520090xi32, #tpu.memory_space<vmem>>, vector<1x100000xi32>
    tpu.vector_store %arg7[%swap3A_177, %swap3A_178], %add3A_176 {strides = array<i32>} : memref<2x520090xi32, #tpu.memory_space<vmem>>, vector<1x100000xi32>,
    %jit3A_180 = arith.constant 10 : i32
    %eq3A_181 = arith.constant 0 : i32
    %eq3A_182 = arith.cmpi eq, %jit3A_180, %eq3A_181 : i32
    %jit3A_183 = arith.constant 1 : i32
    %select_n3A_184 = arith.select %eq3A_182, %jit3A_183, %jit3A_180 : i32
    %rem3A_185 = vector.broadcast %select_n3A_184 : i32 to vector<1x100000xi32>
    %rem3A_186 = arith.remsi %iota3A_80, %rem3A_185 : vector<1x100000xi32>
    %ne3A_187 = arith.constant 0 : i32
    %ne3A_188 = vector.broadcast %ne3A_187 : i32 to vector<1x100000xi32>
    %ne3A_189 = arith.cmpi ne, %rem3A_186, %ne3A_188 : vector<1x100000xi32>
    %lt3A_190 = arith.constant 0 : i32
    %lt3A_191 = vector.broadcast %lt3A_190 : i32 to vector<1x100000xi32>
    %lt3A_192 = arith.cmpi slt, %rem3A_186, %lt3A_191 : vector<1x100000xi32>
    %lt3A_193 = arith.constant 0 : i32
    %lt3A_194 = arith.cmpi slt, %select_n3A_184, %lt3A_193 : i32
    %ne3A_195 = vector.broadcast %lt3A_194 : i1 to vector<1x100000xi1>
    %ne3A_196 = vector.broadcast %ne3A_195 : vector<1x100000xi1> to vector<1x100000xi1>
    %ne3A_197 = arith.xori %lt3A_192, %ne3A_196 : vector<1x100000xi1>
    %and3A_198 = arith.andi %ne3A_197, %ne3A_189 : vector<1x100000xi1>
    %add3A_199 = vector.broadcast %select_n3A_184 : i32 to vector<1x100000xi32>
    %add3A_200 = arith.addi %rem3A_186, %add3A_199 : vector<1x100000xi32>
    %select_n3A_201 = arith.select %and3A_198, %add3A_200, %rem3A_186 : vector<1x100000xi1>, vector<1x100000xi32>
    %swap3A_202 = arith.constant 1 : index
    %swap3A_203 = arith.constant 420090 : index
    %swap3A_204 = vector.load %arg7[%swap3A_202, %swap3A_203] : memref<2x520090xi32, #tpu.memory_space<vmem>>, vector<1x100000xi32>
    tpu.vector_store %arg7[%swap3A_202, %swap3A_203], %select_n3A_201 {strides = array<i32>} : memref<2x520090xi32, #tpu.memory_space<vmem>>, vector<1x100000xi32>,
    return
  }
}

</mosaic_0001>

<sc_bundles>
// kernel: kernel.5.cloned.1.call-start
scs
__scs_entry_jumppad:
0x0: {  	(pc) =	sbr.rel $0x88, $3  }
0x1: {  	(tag) =	ssettag $0x0;
	lr =	simm.s32 $0x1  }
0x2: {  	[smem:$0x3F98] =	sst lr;
	_ =	strace $0xD0000000  }
0x3: {  	_ = 	snop  }
0x4: {  	_ = 	snop  }
0x5: {  	_ = 	snop  }
0x6: {  	_ = 	snop  }
0x7: {  	_ = 	snop  }
__scs_overlays_trampoline_lowered:
0x8: {  	[smem:$0x3FA7] =	sst s0  }
0x9: {  	[smem:$0x3FA8] =	sst s1  }
0xa: {  	[smem:$0x3FA9] =	sst s2  }
0xb: {  	[smem:$0x3FAA] =	sst s3  }
0xc: {  	[smem:$0x3FAB] =	sst s4  }
0xd: {  	[smem:$0x3FAC] =	sst s5  }
0xe: {  	[smem:$0x3FAD] =	sst s6  }
0xf: {  	[smem:$0x3FAE] =	sst s7  }
0x10: {  	[smem:$0x3FAF] =	sst s8  }
0x11: {  	[smem:$0x3FB0] =	sst s9;
	s0 =	simm.s32 @!p0 $0x0  }
0x12: {  	s1 =	sld [smem:$0x3F96];
	s0 =	simm.s32 @p0 $0x1  }
0x13: {  	[smem:$0x3FB1] =	sst s0;
	s0 =	simm.s32 @!p1 $0x0  }
0x14: {  	s2 =	sld [smem:$0x3F95];
	s0 =	simm.s32 @p1 $0x1  }
0x15: {  	[smem:$0x3FB2] =	sst s0;
	s0 =	simm.s32 @!p2 $0x0  }
0x16: {  	s3 =	sld [smem:$0x3FDB];
	s0 =	simm.s32 @p2 $0x1  }
0x17: {  	s4 =	simm.s32 $0x1BF5;
	[smem:$0x3FB4] =	sst s0  }
0x18: {  	s0 =	sld [smem:$0x3F97];
	_ =	swait.ge [sflag:s4], $0x0  }
0x19: {  	s7 =	sld [smem:$0x3F98]  }
0x1a: {  	s8 =	sadd.s32 $0xFFFFE003, lr  }
0x1b: {  	s9 =	sadd.s32 $0xFFFFFEF7, lr;
	s5 =	simm.s32 $0xFFFFFFFF;
	p2 =	slt.u32 s8, $0xFFFFF086  }
0x1c: {  	p1 =	slt.u32 s9, $0xF7A;
	s5 =	simm.s32 @!p2 $0x0  }
0x1d: {  	s5 =	simm.s32 @p1 $0x1;
	p0 =	seq.s32 s7, s2  }
0x1e: {  	s7 =	smul.u32 @!p0 $0xF7A, s2;
	p2 =	seq.s32 @!p0 s5, $0x0  }
0x1f: {  	s9 =	smul.u32 $0xF7A, s1;
	s8 =	simm.s32 @!p0 $0x1BF5;
	p2 =	por !p2, p0  }
0x20: {  	[sflag:s8] =	ssyncset.s32 @!p0 $0xFFFFF086;
	s6 =	sadd.s32 @!p0 s3, s7;
	s7 =	simm.s32 @!p0 $0x108  }
0x21: {  	s3 =	sadd.s32 s3, s9;
	s6 =	sadd.s32 @!p0 $0x88, s6;
	s7 =	simm.s32 @p2 $0x1082  }
0x22: {  	[simem:s7], [sflag:s8] =	dma.local @!p0 [hbm:s6], $0xF7A  }
0x23: {  	s9 =	sor.u32 $0xD0000000, s2;
	s6 =	simm.s32 $0x108;
	_ =	swait.ge @!p0 [sflag:s8], $0x0  }
0x24: {  	s3 =	sadd.s32 $0x88, s3;
	s6 =	simm.s32 @!p1 $0x1082;
	[sflag:s4] =	ssyncset.s32 $0xFFFFF086  }
0x25: {  	[simem:s6], [sflag:s4] =	dma.local [hbm:s3], $0xF7A  }
0x26: {  	[smem:$0x3F98] =	sst s1;
	(tag) =	ssettag s2;
	_ =	strace s9  }
0x27: {  	s1 =	sld [smem:$0x3FA8]  }
0x28: {  	s2 =	sld [smem:$0x3FA9]  }
0x29: {  	s4 =	sld [smem:$0x3FAB]  }
0x2a: {  	p0 =	seq.s32 s5, $0x0;
	s5 =	sld [smem:$0x3FAC]  }
0x2b: {  	s6 =	sld [smem:$0x3FAD]  }
0x2c: {  	s7 =	sld [smem:$0x3FAE]  }
0x2d: {  	s3 =	simm.s32 $0x108;
	s8 =	sld [smem:$0x3FAF]  }
0x2e: {  	s3 =	simm.s32 @!p0 $0x1082;
	s9 =	sld [smem:$0x3FB0]  }
0x2f: {  	lr =	sadd.s32 s0, s3;
	s0 =	sld [smem:$0x3FA7]  }
0x30: {  	s3 =	sld [smem:$0x3FAA]  }
0x31: {  	[smem:$0x3FB3] =	sst s10  }
0x32: {  	s10 =	sld [smem:$0x3FB1];
	_ =	sdelay $0x3  }
0x33: {  	p0 =	seq.s32 s10, $0x1;
	s10 =	sld [smem:$0x3FB3];
	_ =	sdelay $0x3  }
0x34: {  	[smem:$0x3FB3] =	sst s10  }
0x35: {  	s10 =	sld [smem:$0x3FB2];
	_ =	sdelay $0x3  }
0x36: {  	p1 =	seq.s32 s10, $0x1;
	s10 =	sld [smem:$0x3FB3];
	_ =	sdelay $0x3  }
0x37: {  	[smem:$0x3FB3] =	sst s10  }
0x38: {  	s10 =	sld [smem:$0x3FB4]  }
0x39: {  	_ = 	snop;
	(pc) =	sbr.ind lr, $3  }
0x3a: {  	_ = 	snop  }
0x3b: {  	_ = 	snop  }
0x3c: {  	p2 =	seq.s32 s10, $0x1;
	s10 =	sld [smem:$0x3FB3]  }
0x3d: {  	_ =	shalt  }
0x3e: {  	_ =	shalt  }
0x3f: {  	_ =	shalt  }
0x40: {  	_ =	shalt  }
0x41: {  	_ =	shalt  }
0x42: {  	_ =	shalt  }
0x43: {  	_ =	shalt  }
0x44: {  	_ =	shalt  }
0x45: {  	_ =	shalt  }
0x46: {  	_ =	shalt  }
0x47: {  	_ =	shalt  }
0x48: {  	_ =	shalt  }
0x49: {  	_ =	shalt  }
0x4a: {  	_ =	shalt  }
0x4b: {  	_ =	shalt  }
0x4c: {  	_ =	shalt  }
0x4d: {  	_ =	shalt  }
0x4e: {  	_ =	shalt  }
0x4f: {  	_ =	shalt  }
0x50: {  	_ =	shalt  }
0x51: {  	_ =	shalt  }
0x52: {  	_ =	shalt  }
0x53: {  	_ =	shalt  }
0x54: {  	_ =	shalt  }
0x55: {  	_ =	shalt  }
0x56: {  	_ =	shalt  }
0x57: {  	_ =	shalt  }
0x58: {  	_ =	shalt  }
0x59: {  	_ =	shalt  }
0x5a: {  	_ =	shalt  }
0x5b: {  	_ =	shalt  }
0x5c: {  	_ =	shalt  }
0x5d: {  	_ =	shalt  }
0x5e: {  	_ =	shalt  }
0x5f: {  	_ =	shalt  }
0x60: {  	_ =	shalt  }
0x61: {  	_ =	shalt  }
0x62: {  	_ =	shalt  }
0x63: {  	_ =	shalt  }
0x64: {  	_ =	shalt  }
0x65: {  	_ =	shalt  }
0x66: {  	_ =	shalt  }
0x67: {  	_ =	shalt  }
0x68: {  	_ =	shalt  }
0x69: {  	_ =	shalt  }
0x6a: {  	_ =	shalt  }
0x6b: {  	_ =	shalt  }
0x6c: {  	_ =	shalt  }
0x6d: {  	_ =	shalt  }
0x6e: {  	_ =	shalt  }
0x6f: {  	_ =	shalt  }
0x70: {  	_ =	shalt  }
0x71: {  	_ =	shalt  }
0x72: {  	_ =	shalt  }
0x73: {  	_ =	shalt  }
0x74: {  	_ =	shalt  }
0x75: {  	_ =	shalt  }
0x76: {  	_ =	shalt  }
0x77: {  	_ =	shalt  }
0x78: {  	_ =	shalt  }
0x79: {  	_ =	shalt  }
0x7a: {  	_ =	shalt  }
0x7b: {  	_ =	shalt  }
0x7c: {  	_ =	shalt  }
0x7d: {  	_ =	shalt  }
0x7e: {  	_ =	shalt  }
0x7f: {  	_ =	shalt  }
0x80: {  	_ =	shalt  }
0x81: {  	_ =	shalt  }
0x82: {  	_ =	shalt  }
0x83: {  	_ =	shalt  }
0x84: {  	_ =	shalt  }
0x85: {  	_ =	shalt  }
0x86: {  	_ =	shalt  }
0x87: {  	_ =	shalt  }
.Lfunc_end0:
.L_simem_size_0:
called_computation_lowered:
.L_overlay_start_0:
0x88: {  	s2 =	sld [smem:$0x3FD9]  }
0x89: {  	s3 =	sld [smem:$0x3FFE];
	_ =	sdelay $0x1  }
0x8a: {  	s1 =	srdreg.scid  }
0x8b: {  	s0 =	sand.u32 $0x1, s1  }
0x8c: {  	s14 =	sshll.u32 s0, $0xA;
	s2 =	sadd.s32 s3, s2  }
0x8d: {  	s2 =	sadd.s32 s2, s14  }
0x8e: {  	[smem:$0x3FBF] =	sst s2  }
0x8f: {  	_ = 	snop  }
0x90: {  	s2 =	sld [smem:$0x3FD0];
	_ =	sdelay $0x2  }
0x91: {  	s4 =	simm.s32 $0xA;
	s5 =	simm.s32 $0x10;
	s15 =	sld [smem:$0x3FC6]  }
0x92: {  	[smem:s5], [sflag:s4] =	dma.local [hbm:s2], $0x1  }
0x93: {  	_ =	swait.eq [sflag:s4], $0x1  }
0x94: {  	[sflag:s4] =	ssyncset.done $0x0  }
0x95: {  	[sflag:s4] =	ssyncadd.s32 $0xFFFFFFFF  }
0x96: {  	s16 =	sld [smem:$0x13];
	(tm) =	ssettm $0x1  }
0x97: {  	s17 =	sld [smem:$0x3FFB];
	_ =	sdelay $0x3  }
0x98: {  	_ =	strace s17  }
0x99: {  	s4 =	sld [smem:$0x3FFC];
	_ =	sdelay $0x3  }
0x9a: {  	_ =	strace s4  }
0x9b: {  	s4 =	sld [smem:$0x3FFD];
	_ =	sdelay $0x3  }
0x9c: {  	_ =	strace s4  }
0x9d: {  	_ =	strace $0x8FFFFFFF  }
0x9e: {  	s18 =	sld [smem:$0x3FDB];
	_ =	sdelay $0x1  }
0x9f: {  	s19 =	simm.s32 $_scs_section_size  }
0xa0: {  	s6 =	simm.s32 $_size__tile_overlayer_lowered;
	s7 =	simm.s32 $_tile_overlayer_lowered  }
0xa1: {  	s22 =	simm.s32 $0x1BFF;
	s21 =	sshll.u32 s7, $0x1;
	s4 =	sadd.s32 s19, s18  }
0xa2: {  	s8 =	simm.s32 $0x0;
	s20 =	sshll.u32 s6, $0x1;
	s6 =	sadd.s32 s21, s4  }
0xa3: {  	[timem:s8], [sflag:s22] =	dma.local [hbm:s6], s20  }
0xa4: {  	_ =	swait.ge [sflag:s22], s20  }
0xa5: {  	s5 =	ssub.s32 $0x0, s20;
	[sflag:s22] =	ssyncset.done $0x0  }
0xa6: {  	[sflag:s22] =	ssyncadd.s32 s5;
	_ =	sdelay $0x1  }
0xa7: {  	s23 =	simm.s32 $0x1B8B  }
0xa8: {  	_ =	swait.ge [sflag:s23], $0x1  }
0xa9: {  	[sflag:s23] =	ssyncset.done $0x0  }
0xaa: {  	s25 =	simm.s32 $0x1B8E;
	s24 =	sld [smem:$0x3FFE];
	[sflag:s23] =	ssyncadd.s32 $0xFFFFFFFF  }
0xab: {  	s26 =	simm.s32 $execute0_lowered;
	[smem:$0x3FD2] =	sst s25  }
0xac: {  	s6 =	sshll.u32 s26, $0x1;
	_ =	strace $0x80000046;
	[dreg:$0x1] =	wrdreg $0xFFFFFFFF  }
0xad: {  	s28 =	simm.s32 $_size_execute0_lowered;
	s4 =	sadd.s32 s4, s6;
	[dreg:$0x0] =	wrdreg $0x0  }
0xae: {  	s6 =	sshll.u32 s28, $0x1;
	[dreg:$0x2] =	wrdreg s4  }
0xaf: {  	[dreg:$0x3] =	wrdreg s6  }
0xb0: {  	[dreg:$0x4] =	wrdreg $0xC0  }
0xb1: {  	_ =	task [dreg:s8], $0x5FFFF  }
0xb2: {  	[dreg:$0x1] =	wrdreg $0xFFFFFFFF  }
0xb3: {  	[dreg:$0x0] =	wrdreg $0x60  }
0xb4: {  	[dreg:$0x2] =	wrdreg s15  }
0xb5: {  	[dreg:$0x3] =	wrdreg s24  }
0xb6: {  	[dreg:$0x4] =	wrdreg s16  }
0xb7: {  	[dreg:$0x5] =	wrdreg $0x5E800  }
0xb8: {  	[dreg:$0x6] =	wrdreg $0x9  }
0xb9: {  	_ =	task.clear_ibuf [dreg:s8], $0x7FFFF;
	_ =	strace $0x90000046  }
0xba: {  	s29 =	simm.s32 $0x9;
	_ =	strace $0x80000048  }
0xbb: {  	_ =	swait.ge [sflag:s29], $0x1  }
0xbc: {  	[sflag:s29] =	ssyncadd.s32 $0xFFFFFFFF  }
0xbd: {  	_ =	strace $0x90000048  }
0xbe: {  	_ =	sfence  }
0xbf: {  	s30 =	sld [smem:$0x0];
	_ =	sdelay $0x2  }
0xc0: {  	s31 =	sshll.u32 s1, $0xD;
	s1 =	sshrl.u32 s1, $0x2  }
0xc1: {  	s3 =	sand.u32 $0x4000, s31;
	s1 =	sadd.s32 s1, s30  }
0xc2: {  	s0 =	sor.u32 s3, s0;
	s1 =	sshll.u32 s1, $0x11  }
0xc3: {  	s0 =	sor.u32 s1, s0  }
0xc4: {  	s0 =	sadd.s32 $0x8F2B, s0  }
0xc5: {  	[sflag:s0] =	ssyncadd.remote.s32 $0x1  }
0xc6: {  	_ =	sfence.sel $0xFFFF  }
0xc7: {  	[dreg:$0x0] =	wrdreg $0xFFFFFFFF;
	(pc) =	sbr.abs _section_cstart, $3  }
0xc8: {  	[dreg:$0x1] =	wrdreg $0xFFFFFFFF  }
0xc9: {  	_ =	task.clear_ibuf [dreg:s8], $0x2FFFF;
	_ =	strace $0x9FFFFFFF  }
0xca: {  	(tm) =	ssettm $0x7FFFFFFF  }
0xcb: {  	_ =	shalt  }
tec
execute0_lowered:
.L_overlay_start_1:
0x0: {  	(tag) =	ssettag $0x1  }
0x1: {  	s1 =	srdreg.scid;
	s10 =	rddreg [dreg:$0x1]  }
0x2: {  	s0 =	stileid.u32;
	s11 =	rddreg [dreg:$0x2]  }
0x3: {  	s3 =	rddreg [dreg:$0x3];
	s4 =	simm.s32 $0x0;
	s19 =	simm.s32 $0x5CC8  }
0x4: {  	s20 =	simm.s32 $0x2A80;
	s21 =	simm.s32 $0x0;
	s14 =	smul.u32 $0x280, s0  }
0x5: {  	v0 =	vlaneseq.u32;
	v6 =	vimm.s32 $0x270F;
	v8 =	vimm.s32 $0x2707;
	s7 =	sand.u32 $0x1, s1;
	s29 =	sshll.u32 s0, $0x1;
	s15 =	smul.u32 $0x1880, s0  }
0x6: {  	vm0 =	vcmask $0x1700;
	vm1 =	vcmask $0x2700;
	v7 =	vimm.s32 $0x2709;
	s1 =	rddreg [dreg:$0x0];
	s18 =	sor.u32 s7, s29;
	s17 =	smul.u32 $0xC40, s7  }
0x7: {  	vm12 =	vcmask $0xF00;
	v9 =	vimm.s32 $0x270B;
	vm13 =	vcmask $0x3710;
	[smem:$0x7FF] =	sst s4;
	s6 =	ssub.s32 $0x2, s7;
	s8 =	smul.u32 $0xC40, s18  }
0x8: {  	vm14 =	vcmask $0x700;
	v10 =	vimm.s32 $0x270E;
	vm15 =	vcmask $0x2F08;
	p0 =	seq.s32 s0, $0xF;
	s9 =	smul.u32 $0x138, s18;
	s13 =	sshrl.u32 s6, $0x1  }
0x9: {  	v5 =	vor.u32 $0x2700, v0;
	v7 =	vsel vm1, $0x2708, v7;
	v8 =	vsel vm0, $0x2706, v8;
	p1 =	seq.s32 s18, $0x1F;
	s18 =	simm.s32 $0x3700;
	s2 =	sadd.s32 $0xC00, s8  }
0xa: {  	v9 =	vsel vm12, $0x2709, v9;
	v11 =	vshrl.u32 v0, $0x3;
	s13 =	ssub.s32 s6, s13;
	s6 =	sadd.s32 s14, s3;
	s30 =	sadd.s32 $0xC10, s8;
	v1 =	vor.u32 s2, v0  }
0xb: {  	v12 =	vsel vm14, $0x270C, v10;
	s15 =	sadd.s32 s17, s15;
	s17 =	simm.s32 $0x2800;
	s31 =	sadd.s32 $0xC20, s8;
	v2 =	vor.u32 s30, v0;
	v1 =	vmulhi.u32 $0xCCCCCCCD, v1  }
0xc: {  	v9 =	vsel vm13, $0x270A, v9;
	s5 =	sadd.s32 $0xC30, s8;
	s12 =	sshrl.u32 s9, $0x3;
	s16 =	sshrl.u32 s8, $0x3;
	v3 =	vor.u32 s31, v0;
	v2 =	vmulhi.u32 $0xCCCCCCCD, v2  }
.Ltmp0:
0xd: {  	v10 =	vadd.s32 $0x270B, v11;
	s8 =	sadd.s32 $0x3700, s9;
	s2 =	rddreg [dreg:$0x4];
	v4 =	vor.u32 s5, v0;
	v3 =	vmulhi.u32 $0xCCCCCCCD, v3;
	(pc) =	sbr.rel .LBB2_1-.Ltmp0, $4  }
0xe: {  	v11 =	vsel vm15, $0x270D, v12;
	_ =	strace $0x80000047;
	s5 =	sadd.s32 $0x1600, s10;
	s12 =	sadd.s32 s12, s10;
	v4 =	vmulhi.u32 $0xCCCCCCCD, v4  }
0xf: {  	v12 =	vsel vm0, $0x270E, v6;
	s9 =	sadd.s32 s11, s16;
	s10 =	sadd.s32 $0x1CB9, s10;
	s11 =	sadd.s32 $0x2F78, s11;
	v1 =	vshrl.u32 v1, $0x3;
	v2 =	vshrl.u32 v2, $0x3  }
0x10: {  	s16 =	simm.s32 $0x2780;
	s7 =	sadd.s32 $0x1800, s12;
	s12 =	smax.u32 s13, $0x1;
	v3 =	vshrl.u32 v3, $0x3;
	v4 =	vshrl.u32 v4, $0x3;
	v1 =	vmin.u32 v1, $0x270F  }
0x11: {  	s13 =	sor.u32 $0x70, s14;
	s14 =	sadd.s32 $0x70, s15;
	s15 =	simm.s32 $0x1;
	v2 =	vmin.u32 v2, $0x270F;
	v3 =	vmin.u32 v3, $0x270F;
	v4 =	vmin.u32 v4, $0x270F  }
.LBB2_12:
0x12: {  	_ =	sdelay $0x2  }
0x13: {  	[tilespmem:s22+$0x20] =	vst v13  }
0x14: {  	v13 =	vld.idx.msk [tilespmem:v14+s18+$0x0], $0xffff;
	_ =	sdelay $0x4  }
0x15: {  	[tilespmem:s22+$0x30] =	vst v13  }
0x16: {  	v13 =	vld.idx.msk [tilespmem:v8+s18+$0x0], $0xffff;
	_ =	sdelay $0x4  }
0x17: {  	[tilespmem:$0x3500] =	vst v13  }
0x18: {  	v13 =	vld.idx.msk [tilespmem:v7+s18+$0x0], $0xffff;
	_ =	sdelay $0x4  }
0x19: {  	[tilespmem:$0x3510] =	vst v13  }
0x1a: {  	v13 =	vld.idx.msk [tilespmem:v9+s18+$0x0], $0xffff;
	_ =	sdelay $0x4  }
0x1b: {  	[tilespmem:$0x3520] =	vst v13  }
0x1c: {  	v13 =	vld.idx.msk [tilespmem:v10+s18+$0x0], $0xffff;
	_ =	sdelay $0x4  }
0x1d: {  	[tilespmem:$0x3530] =	vst v13  }
0x1e: {  	v13 =	vld.idx.msk [tilespmem:v11+s18+$0x0], $0xffff;
	_ =	sdelay $0x4  }
0x1f: {  	[tilespmem:$0x3540] =	vst v13  }
0x20: {  	v13 =	vld.idx.msk [tilespmem:v12+s18+$0x0], $0xffff;
	_ =	sdelay $0x4  }
0x21: {  	[tilespmem:$0x3550] =	vst v13  }
0x22: {  	[hbm4b:s11+s4] =	stream.linear.scatter [tilespmem:s20], [sflag:$0x1], $0xAE0, $0x38;
	[tilespmem:$0x60F8] =	vst v63  }
0x23: {  	_ =	swait.ge [sflag:s15], $0xAE0  }
0x24: {  	[sflag:s15] =	ssyncset.done $0x0  }
0x25: {  	[sflag:s15] =	ssyncadd.s32 $0xFFFFF520  }
.LBB2_13:
0x26: {  	s21 =	sadd.s32 $0x1, s21  }
0x27: {  	p2 =	sne.s32 s21, s12  }
.Ltmp1:
0x28: {  	_ = 	snop;
	(pc) =	sbr.rel @!p2 .LBB2_14-.Ltmp1, $1  }
0x29: {  	_ =	sdelay $0x3  }
.LBB2_1:
0x2a: {  	[tilespmem:s4], [sflag:$0x1] =	stream.linear.gather [hbm4b:s1+s4], $0x2780, $0x38;
	[tilespmem:$0x60F8] =	vst v63  }
0x2b: {  	_ =	swait.ge [sflag:s15], $0x2780  }
0x2c: {  	[sflag:s15] =	ssyncset.done $0x0  }
.Ltmp2:
0x2d: {  	[sflag:s15] =	ssyncadd.s32 $0xFFFFD880;
	(pc) =	sbr.rel @!p0 .LBB2_2-.Ltmp2, $4  }
0x2e: {  	[tilespmem:s16], [sflag:$0x1] =	stream.linear.gather [hbm4b:s5+s4], $0x80, $0x38;
	[tilespmem:$0x60F8] =	vst v63  }
0x2f: {  	_ =	swait.ge [sflag:s15], $0x80  }
0x30: {  	s22 =	simm.s32 $0xFFFFFFF8;
	s23 =	simm.s32 $0x2840;
	[sflag:s15] =	ssyncset.done $0x0  }
0x31: {  	s24 =	smov.u32 s13;
	s25 =	smov.u32 s13;
	[sflag:s15] =	ssyncadd.s32 $0xFFFFFF80  }
.LBB2_4:
0x32: {  	s24 =	sadd.s32 $0xFFFFFF90, s25  }
0x33: {  	v13 =	vor.u32 s24, v0  }
0x34: {  	vm0 =	vlt.s32 v13, $0x270F  }
0x35: {  	v13 =	vnsel vm0, $0x270F, v13;
	_ =	sdelay $0x4  }
0x36: {  	v13 =	vld.idx.msk [tilespmem:v13+s4+$0x0], $0xffff;
	_ =	sdelay $0x4  }
0x37: {  	vm13 =	vgt.s32 v13, $0x0  }
0x38: {  	v13 =	vnsel vm13, $0x0, v13  }
0x39: {  	v13 =	vmin.u32 v13, $0x4;
	_ =	sdelay $0x2  }
0x3a: {  	s31 =	sadd.s32 $0xFFFFFFA0, s25  }
0x3b: {  	v14 =	vor.u32 s31, v0  }
0x3c: {  	vm14 =	vlt.s32 v14, $0x270F;
	v13 =	vld.idx.msk [tilespmem:v13+s16+$0x0], $0xffff  }
0x3d: {  	v14 =	vnsel vm14, $0x270F, v14;
	_ =	sdelay $0x3  }
0x3e: {  	[tilespmem:s23+$0xFFFFFFC0] =	vst v13  }
0x3f: {  	v13 =	vld.idx.msk [tilespmem:v14+s4+$0x0], $0xffff;
	_ =	sdelay $0x4  }
0x40: {  	vm15 =	vgt.s32 v13, $0x0  }
0x41: {  	v13 =	vnsel vm15, $0x0, v13  }
0x42: {  	v13 =	vmin.u32 v13, $0x4;
	_ =	sdelay $0x2  }
0x43: {  	s26 =	sadd.s32 $0xFFFFFFB0, s25  }
0x44: {  	v14 =	vor.u32 s26, v0  }
0x45: {  	vm4 =	vlt.s32 v14, $0x270F;
	v13 =	vld.idx.msk [tilespmem:v13+s16+$0x0], $0xffff  }
0x46: {  	v14 =	vnsel vm4, $0x270F, v14;
	_ =	sdelay $0x3  }
0x47: {  	[tilespmem:s23+$0xFFFFFFD0] =	vst v13  }
0x48: {  	v13 =	vld.idx.msk [tilespmem:v14+s4+$0x0], $0xffff;
	_ =	sdelay $0x4  }
0x49: {  	vm5 =	vgt.s32 v13, $0x0  }
0x4a: {  	v13 =	vnsel vm5, $0x0, v13  }
0x4b: {  	v13 =	vmin.u32 v13, $0x4;
	_ =	sdelay $0x2  }
0x4c: {  	s28 =	sadd.s32 $0xFFFFFFC0, s25  }
0x4d: {  	v14 =	vor.u32 s28, v0  }
0x4e: {  	vm6 =	vlt.s32 v14, $0x270F;
	v13 =	vld.idx.msk [tilespmem:v13+s16+$0x0], $0xffff  }
0x4f: {  	v14 =	vnsel vm6, $0x270F, v14;
	_ =	sdelay $0x3  }
0x50: {  	[tilespmem:s23+$0xFFFFFFE0] =	vst v13  }
0x51: {  	v13 =	vld.idx.msk [tilespmem:v14+s4+$0x0], $0xffff;
	_ =	sdelay $0x4  }
0x52: {  	vm7 =	vgt.s32 v13, $0x0  }
0x53: {  	v13 =	vnsel vm7, $0x0, v13  }
0x54: {  	v13 =	vmin.u32 v13, $0x4;
	_ =	sdelay $0x2  }
0x55: {  	s29 =	sadd.s32 $0xFFFFFFD0, s25  }
0x56: {  	v14 =	vor.u32 s29, v0  }
0x57: {  	vm8 =	vlt.s32 v14, $0x270F;
	v13 =	vld.idx.msk [tilespmem:v13+s16+$0x0], $0xffff  }
0x58: {  	v14 =	vnsel vm8, $0x270F, v14;
	_ =	sdelay $0x3  }
0x59: {  	[tilespmem:s23+$0xFFFFFFF0] =	vst v13  }
0x5a: {  	v13 =	vld.idx.msk [tilespmem:v14+s4+$0x0], $0xffff;
	_ =	sdelay $0x4  }
0x5b: {  	vm9 =	vgt.s32 v13, $0x0  }
0x5c: {  	v13 =	vnsel vm9, $0x0, v13  }
0x5d: {  	v13 =	vmin.u32 v13, $0x4;
	_ =	sdelay $0x2  }
0x5e: {  	s30 =	sadd.s32 $0xFFFFFFE0, s25  }
0x5f: {  	v14 =	vor.u32 s30, v0  }
0x60: {  	vm10 =	vlt.s32 v14, $0x270F;
	v13 =	vld.idx.msk [tilespmem:v13+s16+$0x0], $0xffff  }
0x61: {  	v14 =	vnsel vm10, $0x270F, v14;
	_ =	sdelay $0x3  }
0x62: {  	[tilespmem:s23+$0x0] =	vst v13  }
0x63: {  	v13 =	vld.idx.msk [tilespmem:v14+s4+$0x0], $0xffff;
	_ =	sdelay $0x4  }
0x64: {  	vm11 =	vgt.s32 v13, $0x0  }
0x65: {  	v13 =	vnsel vm11, $0x0, v13  }
0x66: {  	v13 =	vmin.u32 v13, $0x4;
	_ =	sdelay $0x2  }
0x67: {  	s31 =	sadd.s32 $0xFFFFFFF0, s25  }
0x68: {  	v14 =	vor.u32 s31, v0  }
0x69: {  	vm12 =	vlt.s32 v14, $0x270F;
	v13 =	vld.idx.msk [tilespmem:v13+s16+$0x0], $0xffff  }
0x6a: {  	v14 =	vnsel vm12, $0x270F, v14;
	_ =	sdelay $0x3  }
0x6b: {  	[tilespmem:s23+$0x10] =	vst v13  }
0x6c: {  	v13 =	vld.idx.msk [tilespmem:v14+s4+$0x0], $0xffff;
	_ =	sdelay $0x4  }
0x6d: {  	vm13 =	vgt.s32 v13, $0x0  }
0x6e: {  	v13 =	vnsel vm13, $0x0, v13  }
0x6f: {  	v13 =	vmin.u32 v13, $0x4;
	_ =	sdelay $0x3  }
0x70: {  	v14 =	vor.u32 s25, v0  }
0x71: {  	vm14 =	vlt.s32 v14, $0x270F;
	v13 =	vld.idx.msk [tilespmem:v13+s16+$0x0], $0xffff  }
0x72: {  	v14 =	vnsel vm14, $0x270F, v14;
	_ =	sdelay $0x3  }
0x73: {  	[tilespmem:s23+$0x20] =	vst v13  }
0x74: {  	v13 =	vld.idx.msk [tilespmem:v14+s4+$0x0], $0xffff;
	_ =	sdelay $0x4  }
0x75: {  	vm15 =	vgt.s32 v13, $0x0  }
0x76: {  	v13 =	vnsel vm15, $0x0, v13  }
0x77: {  	v13 =	vmin.u32 v13, $0x4;
	_ =	sdelay $0x3  }
0x78: {  	s22 =	sadd.s32 $0x8, s22  }
0x79: {  	p2 =	slt.u32 s22, $0x10;
	v13 =	vld.idx.msk [tilespmem:v13+s16+$0x0], $0xffff  }
.Ltmp3:
0x7a: {  	_ = 	snop;
	(pc) =	sbr.rel @p2 .LBB2_4-.Ltmp3, $2  }
0x7b: {  	_ =	sdelay $0x2  }
0x7c: {  	s25 =	sadd.s32 $0x80, s25;
	[tilespmem:s23+$0x30] =	vst v13;
	s23 =	sadd.s32 $0x80, s23  }
0x7d: {  	_ =	sdelay $0x3  }
0x7e: {  	v13 =	vld.idx.msk [tilespmem:v5+s4+$0x0], $0xffff;
	_ =	sdelay $0x4  }
0x7f: {  	vm0 =	vgt.s32 v13, $0x0  }
0x80: {  	v13 =	vnsel vm0, $0x0, v13  }
0x81: {  	v13 =	vmin.u32 v13, $0x4;
	_ =	sdelay $0x4  }
0x82: {  	v13 =	vld.idx.msk [tilespmem:v13+s16+$0x0], $0xffff;
	_ =	sdelay $0x4  }
0x83: {  	[tilespmem:$0x2980] =	vst v13  }
0x84: {  	v13 =	vld.idx.msk [tilespmem:v6+s4+$0x0], $0xffff;
	_ =	sdelay $0x4  }
0x85: {  	vm15 =	vgt.s32 v13, $0x0  }
0x86: {  	v13 =	vnsel vm15, $0x0, v13  }
0x87: {  	v13 =	vmin.u32 v13, $0x4;
	_ =	sdelay $0x4  }
0x88: {  	v13 =	vld.idx.msk [tilespmem:v13+s16+$0x0], $0xffff;
	_ =	sdelay $0x4  }
.Ltmp4:
0x89: {  	[tilespmem:$0x2990] =	vst v13;
	(pc) =	sbr.rel .LBB2_6-.Ltmp4, $4  }
0x8a: {  	[spmem:s6] =	stream.linear.scatter [tilespmem:s17], [sflag:$0x1], $0x1A0, $0x38;
	[tilespmem:$0x60F8] =	vst v63  }
0x8b: {  	_ =	swait.ge [sflag:s15], $0x1A0  }
0x8c: {  	[sflag:s15] =	ssyncset.done $0x0  }
0x8d: {  	[sflag:s15] =	ssyncadd.s32 $0xFFFFFE60  }
.LBB2_2:
0x8e: {  	s25 =	sadd.s32 $0xFFFFFF90, s24  }
0x8f: {  	v13 =	vor.u32 s25, v0  }
0x90: {  	vm0 =	vlt.s32 v13, $0x270F  }
0x91: {  	v13 =	vnsel vm0, $0x270F, v13;
	_ =	sdelay $0x4  }
0x92: {  	v13 =	vld.idx.msk [tilespmem:v13+s4+$0x0], $0xffff;
	_ =	sdelay $0x4  }
0x93: {  	vm13 =	vgt.s32 v13, $0x0  }
0x94: {  	v13 =	vnsel vm13, $0x0, v13  }
0x95: {  	v13 =	vmin.u32 v13, $0x4;
	_ =	sdelay $0x2  }
0x96: {  	s31 =	sadd.s32 $0xFFFFFFA0, s24  }
0x97: {  	v14 =	vor.u32 s31, v0  }
0x98: {  	vm14 =	vlt.s32 v14, $0x270F;
	v13 =	vld.idx.msk [tilespmem:v13+s16+$0x0], $0xffff  }
0x99: {  	v14 =	vnsel vm14, $0x270F, v14;
	_ =	sdelay $0x3  }
0x9a: {  	[tilespmem:s23+$0xFFFFFFC0] =	vst v13  }
0x9b: {  	v13 =	vld.idx.msk [tilespmem:v14+s4+$0x0], $0xffff;
	_ =	sdelay $0x4  }
0x9c: {  	vm15 =	vgt.s32 v13, $0x0  }
0x9d: {  	v13 =	vnsel vm15, $0x0, v13  }
0x9e: {  	v13 =	vmin.u32 v13, $0x4;
	_ =	sdelay $0x2  }
0x9f: {  	s26 =	sadd.s32 $0xFFFFFFB0, s24  }
0xa0: {  	v14 =	vor.u32 s26, v0  }
0xa1: {  	vm4 =	vlt.s32 v14, $0x270F;
	v13 =	vld.idx.msk [tilespmem:v13+s16+$0x0], $0xffff  }
0xa2: {  	v14 =	vnsel vm4, $0x270F, v14;
	_ =	sdelay $0x3  }
0xa3: {  	[tilespmem:s23+$0xFFFFFFD0] =	vst v13  }
0xa4: {  	v13 =	vld.idx.msk [tilespmem:v14+s4+$0x0], $0xffff;
	_ =	sdelay $0x4  }
0xa5: {  	vm5 =	vgt.s32 v13, $0x0  }
0xa6: {  	v13 =	vnsel vm5, $0x0, v13  }
0xa7: {  	v13 =	vmin.u32 v13, $0x4;
	_ =	sdelay $0x2  }
0xa8: {  	s28 =	sadd.s32 $0xFFFFFFC0, s24  }
0xa9: {  	v14 =	vor.u32 s28, v0  }
0xaa: {  	vm6 =	vlt.s32 v14, $0x270F;
	v13 =	vld.idx.msk [tilespmem:v13+s16+$0x0], $0xffff  }
0xab: {  	v14 =	vnsel vm6, $0x270F, v14;
	_ =	sdelay $0x3  }
0xac: {  	[tilespmem:s23+$0xFFFFFFE0] =	vst v13  }
0xad: {  	v13 =	vld.idx.msk [tilespmem:v14+s4+$0x0], $0xffff;
	_ =	sdelay $0x4  }
0xae: {  	vm7 =	vgt.s32 v13, $0x0  }
0xaf: {  	v13 =	vnsel vm7, $0x0, v13  }
0xb0: {  	v13 =	vmin.u32 v13, $0x4;
	_ =	sdelay $0x2  }
0xb1: {  	s29 =	sadd.s32 $0xFFFFFFD0, s24  }
0xb2: {  	v14 =	vor.u32 s29, v0  }
0xb3: {  	vm8 =	vlt.s32 v14, $0x270F;
	v13 =	vld.idx.msk [tilespmem:v13+s16+$0x0], $0xffff  }
0xb4: {  	v14 =	vnsel vm8, $0x270F, v14;
	_ =	sdelay $0x3  }
0xb5: {  	[tilespmem:s23+$0xFFFFFFF0] =	vst v13  }
0xb6: {  	v13 =	vld.idx.msk [tilespmem:v14+s4+$0x0], $0xffff;
	_ =	sdelay $0x4  }
0xb7: {  	vm9 =	vgt.s32 v13, $0x0  }
0xb8: {  	v13 =	vnsel vm9, $0x0, v13  }
0xb9: {  	v13 =	vmin.u32 v13, $0x4;
	_ =	sdelay $0x2  }
0xba: {  	s30 =	sadd.s32 $0xFFFFFFE0, s24  }
0xbb: {  	v14 =	vor.u32 s30, v0  }
0xbc: {  	vm10 =	vlt.s32 v14, $0x270F;
	v13 =	vld.idx.msk [tilespmem:v13+s16+$0x0], $0xffff  }
0xbd: {  	v14 =	vnsel vm10, $0x270F, v14;
	_ =	sdelay $0x3  }
0xbe: {  	[tilespmem:s23+$0x0] =	vst v13  }
0xbf: {  	v13 =	vld.idx.msk [tilespmem:v14+s4+$0x0], $0xffff;
	_ =	sdelay $0x4  }
0xc0: {  	vm11 =	vgt.s32 v13, $0x0  }
0xc1: {  	v13 =	vnsel vm11, $0x0, v13  }
0xc2: {  	v13 =	vmin.u32 v13, $0x4;
	_ =	sdelay $0x2  }
0xc3: {  	s31 =	sadd.s32 $0xFFFFFFF0, s24  }
0xc4: {  	v14 =	vor.u32 s31, v0  }
0xc5: {  	vm12 =	vlt.s32 v14, $0x270F;
	v13 =	vld.idx.msk [tilespmem:v13+s16+$0x0], $0xffff  }
0xc6: {  	v14 =	vnsel vm12, $0x270F, v14;
	_ =	sdelay $0x3  }
0xc7: {  	[tilespmem:s23+$0x10] =	vst v13  }
0xc8: {  	v13 =	vld.idx.msk [tilespmem:v14+s4+$0x0], $0xffff;
	_ =	sdelay $0x4  }
0xc9: {  	vm13 =	vgt.s32 v13, $0x0  }
0xca: {  	v13 =	vnsel vm13, $0x0, v13  }
0xcb: {  	v13 =	vmin.u32 v13, $0x4;
	_ =	sdelay $0x3  }
0xcc: {  	v14 =	vor.u32 s24, v0  }
0xcd: {  	vm14 =	vlt.s32 v14, $0x270F;
	v13 =	vld.idx.msk [tilespmem:v13+s16+$0x0], $0xffff  }
0xce: {  	v14 =	vnsel vm14, $0x270F, v14;
	_ =	sdelay $0x3  }
0xcf: {  	[tilespmem:s23+$0x20] =	vst v13  }
0xd0: {  	v13 =	vld.idx.msk [tilespmem:v14+s4+$0x0], $0xffff;
	_ =	sdelay $0x4  }
0xd1: {  	vm15 =	vgt.s32 v13, $0x0  }
0xd2: {  	v13 =	vnsel vm15, $0x0, v13  }
0xd3: {  	v13 =	vmin.u32 v13, $0x4;
	_ =	sdelay $0x3  }
0xd4: {  	s22 =	sadd.s32 $0x8, s22  }
0xd5: {  	p2 =	slt.u32 s22, $0x20;
	v13 =	vld.idx.msk [tilespmem:v13+s16+$0x0], $0xffff  }
.Ltmp5:
0xd6: {  	_ = 	snop;
	(pc) =	sbr.rel @p2 .LBB2_2-.Ltmp5, $2  }
0xd7: {  	_ =	sdelay $0x2  }
0xd8: {  	s24 =	sadd.s32 $0x80, s24;
	[tilespmem:s23+$0x30] =	vst v13;
	s23 =	sadd.s32 $0x80, s23  }
0xd9: {  	[spmem:s6] =	stream.linear.scatter [tilespmem:s17], [sflag:$0x1], $0x280, $0x38;
	[tilespmem:$0x60F8] =	vst v63  }
0xda: {  	_ =	swait.ge [sflag:s15], $0x280  }
0xdb: {  	[sflag:s15] =	ssyncset.done $0x0  }
0xdc: {  	[sflag:s15] =	ssyncadd.s32 $0xFFFFFD80  }
.LBB2_6:
.Ltmp6:
0xdd: {  	[bflag:$0x0] =	sbarrier.arrive $0xFFFF;
	(pc) =	sbr.rel @!p1 .LBB2_7-.Ltmp6, $4  }
0xde: {  	[tilespmem:s18], [sflag:$0x1] =	stream.linear.gather [spmem:s3], $0x2780, $0x38;
	[tilespmem:$0x60F8] =	vst v63  }
0xdf: {  	_ =	swait.ge [sflag:s15], $0x2780  }
0xe0: {  	[sflag:s15] =	ssyncset.done $0x0  }
0xe1: {  	[sflag:s15] =	ssyncadd.s32 $0xFFFFD880  }
0xe2: {  	s22 =	simm.s32 $0x17BC0  }
0xe3: {  	v13 =	vor.u32 s22, v0  }
0xe4: {  	v13 =	vmulhi.u32 $0xCCCCCCCD, v13;
	_ =	sdelay $0x1  }
0xe5: {  	v13 =	vshrl.u32 v13, $0x3  }
0xe6: {  	[hbm4b:s10+s4] =	stream.linear.scatter [tilespmem:s19], [sflag:$0x1], $0x148, $0x38;
	v13 =	vmin.u32 v13, $0x270F;
	[tilespmem:$0x60F8] =	vst v63  }
0xe7: {  	s25 =	simm.s32 $0x17BD0  }
0xe8: {  	_ =	swait.ge [sflag:s15], $0x148;
	v14 =	vor.u32 s25, v0  }
0xe9: {  	[sflag:s15] =	ssyncset.done $0x0;
	v14 =	vmulhi.u32 $0xCCCCCCCD, v14  }
0xea: {  	[sflag:s15] =	ssyncadd.s32 $0xFFFFFEB8  }
0xeb: {  	v14 =	vshrl.u32 v14, $0x3;
	v13 =	vld.idx.msk [tilespmem:v13+s18+$0x0], $0xffff  }
0xec: {  	v14 =	vmin.u32 v14, $0x270F  }
0xed: {  	s26 =	simm.s32 $0x17BE0  }
0xee: {  	v15 =	vor.u32 s26, v0  }
0xef: {  	s22 =	simm.s32 $0x2AC0;
	v15 =	vmulhi.u32 $0xCCCCCCCD, v15  }
0xf0: {  	[tilespmem:s22+$0xFFFFFFC0] =	vst v13  }
0xf1: {  	v13 =	vld.idx.msk [tilespmem:v14+s18+$0x0], $0xffff;
	v14 =	vshrl.u32 v15, $0x3  }
0xf2: {  	v14 =	vmin.u32 v14, $0x270F  }
0xf3: {  	s23 =	simm.s32 $0x17BF0  }
0xf4: {  	v15 =	vor.u32 s23, v0  }
0xf5: {  	v15 =	vmulhi.u32 $0xCCCCCCCD, v15  }
0xf6: {  	[tilespmem:s22+$0xFFFFFFD0] =	vst v13  }
0xf7: {  	v13 =	vld.idx.msk [tilespmem:v14+s18+$0x0], $0xffff;
	v14 =	vshrl.u32 v15, $0x3  }
0xf8: {  	v14 =	vmin.u32 v14, $0x270F  }
0xf9: {  	s28 =	simm.s32 $0x17C00  }
0xfa: {  	v15 =	vor.u32 s28, v0  }
0xfb: {  	v15 =	vmulhi.u32 $0xCCCCCCCD, v15  }
0xfc: {  	[tilespmem:s22+$0xFFFFFFE0] =	vst v13  }
0xfd: {  	v13 =	vld.idx.msk [tilespmem:v14+s18+$0x0], $0xffff;
	v14 =	vshrl.u32 v15, $0x3  }
0xfe: {  	v14 =	vmin.u32 v14, $0x270F  }
0xff: {  	s29 =	simm.s32 $0x17C10  }
0x100: {  	v15 =	vor.u32 s29, v0  }
0x101: {  	v15 =	vmulhi.u32 $0xCCCCCCCD, v15  }
0x102: {  	[tilespmem:s22+$0xFFFFFFF0] =	vst v13  }
0x103: {  	v13 =	vld.idx.msk [tilespmem:v14+s18+$0x0], $0xffff;
	v14 =	vshrl.u32 v15, $0x3  }
0x104: {  	v14 =	vmin.u32 v14, $0x270F  }
0x105: {  	s30 =	simm.s32 $0x17C20  }
0x106: {  	v15 =	vor.u32 s30, v0  }
0x107: {  	v15 =	vmulhi.u32 $0xCCCCCCCD, v15  }
0x108: {  	[tilespmem:s22+$0x0] =	vst v13  }
0x109: {  	v13 =	vld.idx.msk [tilespmem:v14+s18+$0x0], $0xffff;
	v14 =	vshrl.u32 v15, $0x3  }
0x10a: {  	v14 =	vmin.u32 v14, $0x270F  }
0x10b: {  	s31 =	simm.s32 $0x17C30  }
0x10c: {  	v15 =	vor.u32 s31, v0  }
0x10d: {  	v15 =	vmulhi.u32 $0xCCCCCCCD, v15  }
0x10e: {  	[tilespmem:s22+$0x10] =	vst v13  }
0x10f: {  	v15 =	vshrl.u32 v15, $0x3;
	v13 =	vld.idx.msk [tilespmem:v14+s18+$0x0], $0xffff  }
0x110: {  	v14 =	vmin.u32 v15, $0x270F  }
0x111: {  	s24 =	simm.s32 $0x17CB0;
	s23 =	simm.s32 $0x0  }
.LBB2_11:
0x112: {  	s25 =	sadd.s32 $0xFFFFFF90, s24;
	s23 =	sadd.s32 $0x8, s23  }
0x113: {  	v15 =	vor.u32 s25, v0;
	p2 =	slt.u32 s23, $0xA0  }
0x114: {  	v15 =	vmulhi.u32 $0xCCCCCCCD, v15;
	[tilespmem:s22+$0x20] =	vst v13  }
0x115: {  	v13 =	vld.idx.msk [tilespmem:v14+s18+$0x0], $0xffff  }
0x116: {  	v14 =	vshrl.u32 v15, $0x3  }
0x117: {  	v14 =	vmin.u32 v14, $0x270F;
	_ =	sdelay $0x1  }
0x118: {  	s25 =	sadd.s32 $0xFFFFFFA0, s24  }
0x119: {  	v15 =	vor.u32 s25, v0  }
0x11a: {  	v15 =	vmulhi.u32 $0xCCCCCCCD, v15;
	[tilespmem:s22+$0x30] =	vst v13  }
0x11b: {  	v13 =	vld.idx.msk [tilespmem:v14+s18+$0x0], $0xffff  }
0x11c: {  	v14 =	vshrl.u32 v15, $0x3  }
0x11d: {  	v14 =	vmin.u32 v14, $0x270F;
	_ =	sdelay $0x1  }
0x11e: {  	s25 =	sadd.s32 $0xFFFFFFB0, s24  }
0x11f: {  	s22 =	sadd.s32 $0x80, s22;
	v15 =	vor.u32 s25, v0  }
0x120: {  	[tilespmem:s22+$0xFFFFFFC0] =	vst v13;
	v13 =	vmulhi.u32 $0xCCCCCCCD, v15  }
0x121: {  	v14 =	vld.idx.msk [tilespmem:v14+s18+$0x0], $0xffff  }
0x122: {  	v13 =	vshrl.u32 v13, $0x3  }
0x123: {  	v13 =	vmin.u32 v13, $0x270F;
	_ =	sdelay $0x1  }
0x124: {  	s25 =	sadd.s32 $0xFFFFFFC0, s24  }
0x125: {  	v15 =	vor.u32 s25, v0  }
0x126: {  	[tilespmem:s22+$0xFFFFFFD0] =	vst v14;
	v14 =	vmulhi.u32 $0xCCCCCCCD, v15  }
0x127: {  	v13 =	vld.idx.msk [tilespmem:v13+s18+$0x0], $0xffff  }
0x128: {  	v14 =	vshrl.u32 v14, $0x3  }
0x129: {  	v14 =	vmin.u32 v14, $0x270F;
	_ =	sdelay $0x1  }
0x12a: {  	s25 =	sadd.s32 $0xFFFFFFD0, s24  }
0x12b: {  	v15 =	vor.u32 s25, v0  }
0x12c: {  	[tilespmem:s22+$0xFFFFFFE0] =	vst v13;
	v13 =	vmulhi.u32 $0xCCCCCCCD, v15  }
0x12d: {  	v14 =	vld.idx.msk [tilespmem:v14+s18+$0x0], $0xffff  }
0x12e: {  	v13 =	vshrl.u32 v13, $0x3  }
0x12f: {  	v13 =	vmin.u32 v13, $0x270F;
	_ =	sdelay $0x1  }
0x130: {  	s25 =	sadd.s32 $0xFFFFFFE0, s24  }
0x131: {  	v15 =	vor.u32 s25, v0  }
0x132: {  	[tilespmem:s22+$0xFFFFFFF0] =	vst v14;
	v14 =	vmulhi.u32 $0xCCCCCCCD, v15  }
0x133: {  	v13 =	vld.idx.msk [tilespmem:v13+s18+$0x0], $0xffff  }
0x134: {  	v14 =	vshrl.u32 v14, $0x3  }
0x135: {  	v14 =	vmin.u32 v14, $0x270F;
	_ =	sdelay $0x1  }
0x136: {  	s25 =	sadd.s32 $0xFFFFFFF0, s24  }
0x137: {  	v15 =	vor.u32 s25, v0  }
0x138: {  	[tilespmem:s22+$0x0] =	vst v13;
	v13 =	vmulhi.u32 $0xCCCCCCCD, v15  }
0x139: {  	v14 =	vld.idx.msk [tilespmem:v14+s18+$0x0], $0xffff  }
0x13a: {  	v13 =	vshrl.u32 v13, $0x3  }
0x13b: {  	v13 =	vmin.u32 v13, $0x270F;
	_ =	sdelay $0x2  }
0x13c: {  	v15 =	vor.u32 s24, v0  }
.Ltmp7:
0x13d: {  	[tilespmem:s22+$0x10] =	vst v14;
	v14 =	vmulhi.u32 $0xCCCCCCCD, v15;
	(pc) =	sbr.rel @p2 .LBB2_11-.Ltmp7, $4  }
0x13e: {  	v13 =	vld.idx.msk [tilespmem:v13+s18+$0x0], $0xffff  }
0x13f: {  	v14 =	vshrl.u32 v14, $0x3  }
0x140: {  	v14 =	vmin.u32 v14, $0x270F  }
0x141: {  	s24 =	sadd.s32 $0x80, s24  }
.Ltmp8:
0x142: {  	_ = 	snop;
	(pc) =	sbr.rel .LBB2_12-.Ltmp8, $1  }
0x143: {  	_ =	sdelay $0x3  }
.LBB2_7:
0x144: {  	s22 =	sadd.s32 $0xFFFFFF90, s14  }
0x145: {  	v13 =	vor.u32 s22, v0  }
0x146: {  	v13 =	vmulhi.u32 $0xCCCCCCCD, v13;
	_ =	sdelay $0x1  }
0x147: {  	v13 =	vshrl.u32 v13, $0x3  }
0x148: {  	[hbm4b:s7+s4] =	stream.linear.scatter [tilespmem:s8], [sflag:$0x1], $0x138, $0x38;
	v13 =	vmin.u32 v13, $0x270F;
	[tilespmem:$0x60F8] =	vst v63  }
0x149: {  	s26 =	sadd.s32 $0xFFFFFFA0, s14  }
0x14a: {  	_ =	swait.ge [sflag:s15], $0x138;
	v14 =	vor.u32 s26, v0  }
0x14b: {  	[sflag:s15] =	ssyncset.done $0x0;
	v14 =	vmulhi.u32 $0xCCCCCCCD, v14  }
0x14c: {  	[sflag:s15] =	ssyncadd.s32 $0xFFFFFEC8  }
0x14d: {  	v14 =	vshrl.u32 v14, $0x3;
	v13 =	vld.idx.msk [tilespmem:v13+s18+$0x0], $0xffff  }
0x14e: {  	v14 =	vmin.u32 v14, $0x270F  }
0x14f: {  	s28 =	sadd.s32 $0xFFFFFFB0, s14  }
0x150: {  	v15 =	vor.u32 s28, v0  }
0x151: {  	s22 =	simm.s32 $0x2AC0;
	v15 =	vmulhi.u32 $0xCCCCCCCD, v15  }
0x152: {  	[tilespmem:s22+$0xFFFFFFC0] =	vst v13  }
0x153: {  	v13 =	vld.idx.msk [tilespmem:v14+s18+$0x0], $0xffff;
	v14 =	vshrl.u32 v15, $0x3  }
0x154: {  	v14 =	vmin.u32 v14, $0x270F  }
0x155: {  	s23 =	sadd.s32 $0xFFFFFFC0, s14  }
0x156: {  	v15 =	vor.u32 s23, v0  }
0x157: {  	v15 =	vmulhi.u32 $0xCCCCCCCD, v15  }
0x158: {  	[tilespmem:s22+$0xFFFFFFD0] =	vst v13  }
0x159: {  	v13 =	vld.idx.msk [tilespmem:v14+s18+$0x0], $0xffff;
	v14 =	vshrl.u32 v15, $0x3  }
0x15a: {  	v14 =	vmin.u32 v14, $0x270F  }
0x15b: {  	s29 =	sadd.s32 $0xFFFFFFD0, s14  }
0x15c: {  	v15 =	vor.u32 s29, v0  }
0x15d: {  	v15 =	vmulhi.u32 $0xCCCCCCCD, v15  }
0x15e: {  	[tilespmem:s22+$0xFFFFFFE0] =	vst v13  }
0x15f: {  	v13 =	vld.idx.msk [tilespmem:v14+s18+$0x0], $0xffff;
	v14 =	vshrl.u32 v15, $0x3  }
0x160: {  	v14 =	vmin.u32 v14, $0x270F  }
0x161: {  	s30 =	sadd.s32 $0xFFFFFFE0, s14  }
0x162: {  	v15 =	vor.u32 s30, v0  }
0x163: {  	v15 =	vmulhi.u32 $0xCCCCCCCD, v15  }
0x164: {  	[tilespmem:s22+$0xFFFFFFF0] =	vst v13  }
0x165: {  	v13 =	vld.idx.msk [tilespmem:v14+s18+$0x0], $0xffff;
	v14 =	vshrl.u32 v15, $0x3  }
0x166: {  	v14 =	vmin.u32 v14, $0x270F  }
0x167: {  	s31 =	sadd.s32 $0xFFFFFFF0, s14  }
0x168: {  	v15 =	vor.u32 s31, v0  }
0x169: {  	v15 =	vmulhi.u32 $0xCCCCCCCD, v15  }
0x16a: {  	[tilespmem:s22+$0x0] =	vst v13  }
0x16b: {  	v13 =	vld.idx.msk [tilespmem:v14+s18+$0x0], $0xffff;
	v14 =	vshrl.u32 v15, $0x3  }
0x16c: {  	v14 =	vmin.u32 v14, $0x270F;
	_ =	sdelay $0x1  }
0x16d: {  	v15 =	vor.u32 s14, v0  }
0x16e: {  	v15 =	vmulhi.u32 $0xCCCCCCCD, v15  }
0x16f: {  	[tilespmem:s22+$0x10] =	vst v13  }
0x170: {  	v15 =	vshrl.u32 v15, $0x3;
	v13 =	vld.idx.msk [tilespmem:v14+s18+$0x0], $0xffff  }
0x171: {  	v14 =	vmin.u32 v15, $0x270F  }
0x172: {  	s24 =	sadd.s32 $0x80, s14;
	s23 =	simm.s32 $0x0  }
.LBB2_8:
0x173: {  	s25 =	sadd.s32 $0xFFFFFF90, s24;
	s23 =	sadd.s32 $0x8, s23  }
0x174: {  	v15 =	vor.u32 s25, v0;
	p2 =	slt.u32 s23, $0xB8  }
0x175: {  	v15 =	vmulhi.u32 $0xCCCCCCCD, v15;
	[tilespmem:s22+$0x20] =	vst v13  }
0x176: {  	v13 =	vld.idx.msk [tilespmem:v14+s18+$0x0], $0xffff  }
0x177: {  	v14 =	vshrl.u32 v15, $0x3  }
0x178: {  	v14 =	vmin.u32 v14, $0x270F;
	_ =	sdelay $0x1  }
0x179: {  	s25 =	sadd.s32 $0xFFFFFFA0, s24  }
0x17a: {  	v15 =	vor.u32 s25, v0  }
0x17b: {  	v15 =	vmulhi.u32 $0xCCCCCCCD, v15;
	[tilespmem:s22+$0x30] =	vst v13  }
0x17c: {  	v13 =	vld.idx.msk [tilespmem:v14+s18+$0x0], $0xffff  }
0x17d: {  	v14 =	vshrl.u32 v15, $0x3  }
0x17e: {  	v14 =	vmin.u32 v14, $0x270F;
	_ =	sdelay $0x1  }
0x17f: {  	s25 =	sadd.s32 $0xFFFFFFB0, s24  }
0x180: {  	s22 =	sadd.s32 $0x80, s22;
	v15 =	vor.u32 s25, v0  }
0x181: {  	[tilespmem:s22+$0xFFFFFFC0] =	vst v13;
	v13 =	vmulhi.u32 $0xCCCCCCCD, v15  }
0x182: {  	v14 =	vld.idx.msk [tilespmem:v14+s18+$0x0], $0xffff  }
0x183: {  	v13 =	vshrl.u32 v13, $0x3  }
0x184: {  	v13 =	vmin.u32 v13, $0x270F;
	_ =	sdelay $0x1  }
0x185: {  	s25 =	sadd.s32 $0xFFFFFFC0, s24  }
0x186: {  	v15 =	vor.u32 s25, v0  }
0x187: {  	[tilespmem:s22+$0xFFFFFFD0] =	vst v14;
	v14 =	vmulhi.u32 $0xCCCCCCCD, v15  }
0x188: {  	v13 =	vld.idx.msk [tilespmem:v13+s18+$0x0], $0xffff  }
0x189: {  	v14 =	vshrl.u32 v14, $0x3  }
0x18a: {  	v14 =	vmin.u32 v14, $0x270F;
	_ =	sdelay $0x1  }
0x18b: {  	s25 =	sadd.s32 $0xFFFFFFD0, s24  }
0x18c: {  	v15 =	vor.u32 s25, v0  }
0x18d: {  	[tilespmem:s22+$0xFFFFFFE0] =	vst v13;
	v13 =	vmulhi.u32 $0xCCCCCCCD, v15  }
0x18e: {  	v14 =	vld.idx.msk [tilespmem:v14+s18+$0x0], $0xffff  }
0x18f: {  	v13 =	vshrl.u32 v13, $0x3  }
0x190: {  	v13 =	vmin.u32 v13, $0x270F;
	_ =	sdelay $0x1  }
0x191: {  	s25 =	sadd.s32 $0xFFFFFFE0, s24  }
0x192: {  	v15 =	vor.u32 s25, v0  }
0x193: {  	[tilespmem:s22+$0xFFFFFFF0] =	vst v14;
	v14 =	vmulhi.u32 $0xCCCCCCCD, v15  }
0x194: {  	v13 =	vld.idx.msk [tilespmem:v13+s18+$0x0], $0xffff  }
0x195: {  	v14 =	vshrl.u32 v14, $0x3  }
0x196: {  	v14 =	vmin.u32 v14, $0x270F;
	_ =	sdelay $0x1  }
0x197: {  	s25 =	sadd.s32 $0xFFFFFFF0, s24  }
0x198: {  	v15 =	vor.u32 s25, v0  }
0x199: {  	[tilespmem:s22+$0x0] =	vst v13;
	v13 =	vmulhi.u32 $0xCCCCCCCD, v15  }
0x19a: {  	v14 =	vld.idx.msk [tilespmem:v14+s18+$0x0], $0xffff  }
0x19b: {  	v13 =	vshrl.u32 v13, $0x3  }
0x19c: {  	v13 =	vmin.u32 v13, $0x270F;
	_ =	sdelay $0x2  }
0x19d: {  	v15 =	vor.u32 s24, v0  }
.Ltmp9:
0x19e: {  	[tilespmem:s22+$0x10] =	vst v14;
	v14 =	vmulhi.u32 $0xCCCCCCCD, v15;
	(pc) =	sbr.rel @p2 .LBB2_8-.Ltmp9, $4  }
0x19f: {  	v13 =	vld.idx.msk [tilespmem:v13+s18+$0x0], $0xffff  }
0x1a0: {  	v14 =	vshrl.u32 v14, $0x3  }
0x1a1: {  	v14 =	vmin.u32 v14, $0x270F  }
0x1a2: {  	s24 =	sadd.s32 $0x80, s24  }
0x1a3: {  	_ =	sdelay $0x2  }
0x1a4: {  	[tilespmem:s22+$0x20] =	vst v13  }
0x1a5: {  	v13 =	vld.idx.msk [tilespmem:v14+s18+$0x0], $0xffff;
	_ =	sdelay $0x4  }
0x1a6: {  	[tilespmem:s22+$0x30] =	vst v13  }
0x1a7: {  	v13 =	vld.idx.msk [tilespmem:v1+s18+$0x0], $0xffff;
	_ =	sdelay $0x4  }
0x1a8: {  	[tilespmem:$0x3680] =	vst v13  }
0x1a9: {  	v13 =	vld.idx.msk [tilespmem:v2+s18+$0x0], $0xffff;
	_ =	sdelay $0x4  }
0x1aa: {  	[tilespmem:$0x3690] =	vst v13  }
0x1ab: {  	v13 =	vld.idx.msk [tilespmem:v3+s18+$0x0], $0xffff;
	_ =	sdelay $0x4  }
0x1ac: {  	[tilespmem:$0x36A0] =	vst v13  }
0x1ad: {  	v13 =	vld.idx.msk [tilespmem:v4+s18+$0x0], $0xffff;
	_ =	sdelay $0x4  }
.Ltmp10:
0x1ae: {  	[tilespmem:$0x36B0] =	vst v13;
	(pc) =	sbr.rel .LBB2_13-.Ltmp10, $4  }
0x1af: {  	[hbm4b:s9+s4] =	stream.linear.scatter [tilespmem:s20], [sflag:$0x1], $0xC40, $0x38;
	[tilespmem:$0x60F8] =	vst v63  }
0x1b0: {  	_ =	swait.ge [sflag:s15], $0xC40  }
0x1b1: {  	[sflag:s15] =	ssyncset.done $0x0  }
0x1b2: {  	[sflag:s15] =	ssyncadd.s32 $0xFFFFF3C0  }
.LBB2_14:
0x1b3: {  	_ =	sfence.sel $0x180000  }
0x1b4: {  	[bflag:$0x0] =	sbarrier.arrive $0xFFFF  }
0x1b5: {  	p0 =	sne.s32 s0, $0x0;
	_ =	strace $0x90000047  }
0x1b6: {  	s0 =	sadd.s32 @!p0 $0x100000, s2;
	[bflag:$0x2] =	sbarrier.arrive $0xFFFF  }
0x1b7: {  	[sflag:s0] =	ssyncadd.tile.s32 @!p0 $0x1;
	_ =	shalt  }
.Lfunc_end2:
_tile_overlayer_lowered:
.L_overlay_start_2:
0x1b8: {  	(tag) =	ssettag $0x2  }
0x1b9: {  	s0 =	rddreg [dreg:$0x0];
	s2 =	stileid.u32  }
0x1ba: {  	s1 =	rddreg [dreg:$0x1];
	p0 =	sne.s32 s2, $0x0  }
0x1bb: {  	s3 =	rddreg [dreg:$0x2];
	[bflag:$0x3] =	sbarrier.arrive $0xFFFF;
	s2 =	simm.s32 @!p0 $0x1C01  }
0x1bc: {  	[timem:s3], [sflag:s2] =	dma.local @!p0 [hbm:s0], s1  }
0x1bd: {  	s0 =	simm.s32 @!p0 $0x1  }
0x1be: {  	_ =	swait.ge @!p0 [sflag:s0], s1  }
0x1bf: {  	s1 =	ssub.s32 @!p0 $0x0, s1;
	[sflag:s0] =	ssyncset.done @!p0 $0x0  }
0x1c0: {  	[sflag:s0] =	ssyncadd.s32 @!p0 s1  }
0x1c1: {  	[bflag:$0x3] =	sbarrier.arrive $0xFFFF  }
0x1c2: {  	_ =	shalt  }

</sc_bundles>
